<compile_context>
chip_gen: v7x
topology: tpu7x:2x2x1
jax: 0.10.2.dev20260603
libtpu: 0.0.44.dev20260713+nightly
codegen_flags: <defaults>
</compile_context>

<pallas_src>
import functools

import jax
import jax.numpy as jnp
from jax import lax
from jax.experimental import pallas as pl
from jax.experimental.pallas import tpu as pltpu
from jax.experimental.pallas import tpu_sc as plsc

_RATIO = 0.75
_NBUF = 2


@functools.lru_cache(maxsize=None)
def _make_gather(N, B, C, remain):
    info = plsc.get_sparse_core_info()
    nc, ns, L = info.num_cores, info.num_subcores, info.num_lanes
    nw = nc * ns
    rows = remain * B
    assert rows % (nw * B) == 0 and B % L == 0
    npw = remain // nw
    nch = npw
    mesh = plsc.VectorSubcoreMesh(core_axis_name="c", subcore_axis_name="s")

    @functools.partial(
        pl.kernel,
        mesh=mesh,
        out_type=jax.ShapeDtypeStruct((rows, C), jnp.float32),
        scratch_types=[
            pltpu.VMEM((nch, B), jnp.int32),
        ] + [pltpu.VMEM((B, C), jnp.float32) for _ in range(_NBUF)] + [
            pltpu.SemaphoreType.DMA,
            pltpu.SemaphoreType.DMA,
        ],
    )
    def gather_k(table_hbm, fwd_hbm, out_hbm, idx_v, *bufs_and_sems):
        bufs = bufs_and_sems[:_NBUF]
        gsem, ssem = bufs_and_sems[_NBUF:]
        wid = lax.axis_index("s") * nc + lax.axis_index("c")
        base = wid * (rows // nw)
        pltpu.sync_copy(fwd_hbm.at[pl.ds(wid * npw, npw)], idx_v)
        lane = lax.broadcasted_iota(jnp.int32, (L,), 0)

        def to_row_ids(r):
            for j in range(B // L):
                sl = pl.ds(j * L, L)
                idx_v[r, sl] = idx_v[r, sl] * B + (lane + j * L)

        def start_gather(g):
            return pltpu.async_copy(
                table_hbm.at[idx_v.at[g]], bufs[g % _NBUF], gsem)

        gh = [None] * _NBUF
        sh = [None] * _NBUF
        for k in range(min(_NBUF - 1, nch)):
            to_row_ids(k)
            gh[k] = start_gather(k)
        for g in range(nch):
            cur = g % _NBUF
            ahead = g + _NBUF - 1
            if ahead < nch:
                abuf = ahead % _NBUF
                to_row_ids(ahead)
                if sh[abuf] is not None:
                    sh[abuf].wait()
                gh[abuf] = start_gather(ahead)
            gh[cur].wait()
            sh[cur] = pltpu.async_copy(
                bufs[cur], out_hbm.at[pl.ds(base + g * B, B)], ssem)
        for g in range(max(0, nch - _NBUF), nch):
            sh[g % _NBUF].wait()

    return gather_k


def kernel(patches, forward_indexes, backward_indexes):
    N, B, C = patches.shape
    remain = int(N * (1 - _RATIO))
    table = patches.reshape(N * B, C)
    fwd = forward_indexes.astype(jnp.int32)
    kept = _make_gather(N, B, C, remain)(table, fwd).reshape(remain, B, C)
    return kept, forward_indexes, backward_indexes

# --- scband reference (transcript-rebuilt; emitter-appended) ---
"""Pipeline reference for scband-patch-shuffle-4930622456187 (READ-ONLY COPY).

The authoritative reference and input builder live on the scoring server;
editing this copy changes nothing except your own understanding.
"""

import jax, jax.numpy as jnp
import numpy as np

RATIO = 0.75

def take_indexes(sequences, indexes):
    # torch.gather(sequences, 0, repeat(indexes, 't b -> t b c'))
    idx = jnp.broadcast_to(indexes[:, :, None], sequences.shape)
    return jnp.take_along_axis(sequences, idx, axis=0)

def setup_inputs(seed: int = 0) -> dict:
    key = jax.random.key(seed)
    k_patches, k_perm = jax.random.split(key)
    N, B, C = 1024, 64, 768
    patches = jax.random.normal(k_patches, (N, B, C), dtype=jnp.float32)
    # per-batch random permutations (deterministic stand-in for np.random.shuffle)
    perm_keys = jax.random.split(k_perm, B)
    fwd = jax.vmap(lambda k: jax.random.permutation(k, N))(perm_keys)  # [B, N]
    forward_indexes = fwd.T.astype(jnp.int64)  # [N, B]
    backward_indexes = jnp.argsort(forward_indexes, axis=0).astype(jnp.int64)  # [N, B]
    return {"patches": patches, "forward_indexes": forward_indexes, "backward_indexes": backward_indexes}

def reference(patches, forward_indexes, backward_indexes):
    N, B, C = patches.shape
    remain_N = int(N * (1 - RATIO))
    shuffled = take_indexes(patches, forward_indexes)
    kept = shuffled[:remain_N]
    return (kept, forward_indexes, backward_indexes)

if __name__ == "__main__":
    import jax
    _d = setup_inputs()
    print(jax.jit(kernel)(*tuple(_d.values())))

</pallas_src>

<mosaic_0001>
#map = affine_map<(d0, d1) -> (0, 0)>
module attributes {stable_mosaic.version = 14 : i64} {
  func.func @gather_k(%arg0: i32, %arg1: i32, %arg2: memref<65536x768xf32, #tpu.memory_space<hbm>>, %arg3: memref<1024x64xi32, #tpu.memory_space<hbm>>, %arg4: memref<16384x768xf32, #tpu.memory_space<hbm>>, %arg5: memref<8x64xi32, #tpu.memory_space<vmem>>, %arg6: memref<64x768xf32, #tpu.memory_space<vmem>>, %arg7: memref<64x768xf32, #tpu.memory_space<vmem>>, %arg8: memref<!tpu.dma_semaphore, #tpu.memory_space<semaphore_mem>>, %arg9: memref<!tpu.dma_semaphore, #tpu.memory_space<semaphore_mem>>) attributes {dimension_semantics = [#tpu.dimension_semantics<core_parallel>, #tpu.dimension_semantics<subcore_parallel>], iteration_bounds = array<i64: 2, 16>, scalar_prefetch = 0 : i64, scratch_operands = 5 : i64, tpu.core_type = #tpu.core_type<sc_vector_subcore>, window_params = [{transform_indices = #map}, {transform_indices = #map}, {transform_indices = #map}]} {
    %mul3A = arith.constant 2 : i32
    %mul3A_0 = arith.muli %arg1, %mul3A : i32
    %add3A = arith.addi %mul3A_0, %arg0 : i32
    %mul3A_1 = arith.constant 512 : i32
    %mul3A_2 = arith.muli %add3A, %mul3A_1 : i32
    %mul3A_3 = arith.constant 8 : i32
    %mul3A_4 = arith.muli %add3A, %mul3A_3 : i32
    "tpu.region"() ({
      %run_scoped3A = tpu.sem_alloc : memref<!tpu.dma_semaphore, #tpu.memory_space<semaphore_mem>>
      %dma_start3A_769 = arith.constant 0 : i32
      %dma_start3A_770 = tpu.memref_slice %arg3[%mul3A_4, %dma_start3A_769] : memref<1024x64xi32, #tpu.memory_space<hbm>> -> memref<8x64xi32, #tpu.memory_space<hbm>>
      %dma_start3A_771 = arith.constant 0 : i32
      %dma_start3A_772 = tpu.memref_slice %arg3[%mul3A_4, %dma_start3A_771] : memref<1024x64xi32, #tpu.memory_space<hbm>> -> memref<8x64xi32, #tpu.memory_space<hbm>>
      tpu.enqueue_dma source(%dma_start3A_772 : memref<8x64xi32, #tpu.memory_space<hbm>>) target(%arg5 : memref<8x64xi32, #tpu.memory_space<vmem>>) target_semaphore(%run_scoped3A : memref<!tpu.dma_semaphore, #tpu.memory_space<semaphore_mem>>)
      %dma_wait3A_773 = arith.constant 0 : i32
      %dma_wait3A_774 = tpu.memref_slice %arg3[%mul3A_4, %dma_wait3A_773] : memref<1024x64xi32, #tpu.memory_space<hbm>> -> memref<8x64xi32, #tpu.memory_space<hbm>>
      %dma_wait3A_775 = arith.constant 0 : i32
      %dma_wait3A_776 = tpu.memref_slice %arg3[%mul3A_4, %dma_wait3A_775] : memref<1024x64xi32, #tpu.memory_space<hbm>> -> memref<8x64xi32, #tpu.memory_space<hbm>>
      tpu.wait_dma2 semaphore(%run_scoped3A : memref<!tpu.dma_semaphore, #tpu.memory_space<semaphore_mem>>) src(%dma_wait3A_776 : memref<8x64xi32, #tpu.memory_space<hbm>>) dst(%arg5 : memref<8x64xi32, #tpu.memory_space<vmem>>)
      tpu.yield
    }) : () -> ()
    %iota3A = tpu.iota {dimensions = array<i32: 0>} : vector<16xi32>
    %get3A = arith.constant 0 : i32
    %get3A_5 = arith.index_cast %get3A : i32 to index
    %get3A_6 = arith.constant 0 : index
    %get3A_7 = tpu.vector_load %arg5[%get3A_5, %get3A_6] {strides = array<i32>} : memref<8x64xi32, #tpu.memory_space<vmem>>, vector<1x16xi32>,
    %get3A_8 = vector.shape_cast %get3A_7 : vector<1x16xi32> to vector<16xi32>
    %mul3A_9 = arith.constant 64 : i32
    %mul3A_10 = vector.broadcast %mul3A_9 : i32 to vector<16xi32>
    %mul3A_11 = arith.muli %get3A_8, %mul3A_10 : vector<16xi32>
    %add3A_12 = arith.constant 0 : i32
    %add3A_13 = vector.broadcast %add3A_12 : i32 to vector<16xi32>
    %add3A_14 = arith.addi %iota3A, %add3A_13 : vector<16xi32>
    %add3A_15 = arith.addi %mul3A_11, %add3A_14 : vector<16xi32>
    %swap3A = arith.constant 0 : i32
    %swap3A_16 = arith.index_cast %swap3A : i32 to index
    %swap3A_17 = arith.constant 0 : index
    %swap3A_18 = tpu.vector_load %arg5[%swap3A_16, %swap3A_17] {strides = array<i32>} : memref<8x64xi32, #tpu.memory_space<vmem>>, vector<1x16xi32>,
    %swap3A_19 = vector.shape_cast %swap3A_18 : vector<1x16xi32> to vector<16xi32>
    %swap3A_20 = vector.shape_cast %add3A_15 : vector<16xi32> to vector<1x16xi32>
    tpu.vector_store %arg5[%swap3A_16, %swap3A_17], %swap3A_20 {strides = array<i32>} : memref<8x64xi32, #tpu.memory_space<vmem>>, vector<1x16xi32>,
    %get3A_21 = arith.constant 0 : i32
    %get3A_22 = arith.index_cast %get3A_21 : i32 to index
    %get3A_23 = arith.constant 16 : index
    %get3A_24 = tpu.vector_load %arg5[%get3A_22, %get3A_23] {strides = array<i32>} : memref<8x64xi32, #tpu.memory_space<vmem>>, vector<1x16xi32>,
    %get3A_25 = vector.shape_cast %get3A_24 : vector<1x16xi32> to vector<16xi32>
    %mul3A_26 = arith.constant 64 : i32
    %mul3A_27 = vector.broadcast %mul3A_26 : i32 to vector<16xi32>
    %mul3A_28 = arith.muli %get3A_25, %mul3A_27 : vector<16xi32>
    %add3A_29 = arith.constant 16 : i32
    %add3A_30 = vector.broadcast %add3A_29 : i32 to vector<16xi32>
    %add3A_31 = arith.addi %iota3A, %add3A_30 : vector<16xi32>
    %add3A_32 = arith.addi %mul3A_28, %add3A_31 : vector<16xi32>
    %swap3A_33 = arith.constant 0 : i32
    %swap3A_34 = arith.index_cast %swap3A_33 : i32 to index
    %swap3A_35 = arith.constant 16 : index
    %swap3A_36 = tpu.vector_load %arg5[%swap3A_34, %swap3A_35] {strides = array<i32>} : memref<8x64xi32, #tpu.memory_space<vmem>>, vector<1x16xi32>,
    %swap3A_37 = vector.shape_cast %swap3A_36 : vector<1x16xi32> to vector<16xi32>
    %swap3A_38 = vector.shape_cast %add3A_32 : vector<16xi32> to vector<1x16xi32>
    tpu.vector_store %arg5[%swap3A_34, %swap3A_35], %swap3A_38 {strides = array<i32>} : memref<8x64xi32, #tpu.memory_space<vmem>>, vector<1x16xi32>,
    %get3A_39 = arith.constant 0 : i32
    %get3A_40 = arith.index_cast %get3A_39 : i32 to index
    %get3A_41 = arith.constant 32 : index
    %get3A_42 = tpu.vector_load %arg5[%get3A_40, %get3A_41] {strides = array<i32>} : memref<8x64xi32, #tpu.memory_space<vmem>>, vector<1x16xi32>,
    %get3A_43 = vector.shape_cast %get3A_42 : vector<1x16xi32> to vector<16xi32>
    %mul3A_44 = arith.constant 64 : i32
    %mul3A_45 = vector.broadcast %mul3A_44 : i32 to vector<16xi32>
    %mul3A_46 = arith.muli %get3A_43, %mul3A_45 : vector<16xi32>
    %add3A_47 = arith.constant 32 : i32
    %add3A_48 = vector.broadcast %add3A_47 : i32 to vector<16xi32>
    %add3A_49 = arith.addi %iota3A, %add3A_48 : vector<16xi32>
    %add3A_50 = arith.addi %mul3A_46, %add3A_49 : vector<16xi32>
    %swap3A_51 = arith.constant 0 : i32
    %swap3A_52 = arith.index_cast %swap3A_51 : i32 to index
    %swap3A_53 = arith.constant 32 : index
    %swap3A_54 = tpu.vector_load %arg5[%swap3A_52, %swap3A_53] {strides = array<i32>} : memref<8x64xi32, #tpu.memory_space<vmem>>, vector<1x16xi32>,
    %swap3A_55 = vector.shape_cast %swap3A_54 : vector<1x16xi32> to vector<16xi32>
    %swap3A_56 = vector.shape_cast %add3A_50 : vector<16xi32> to vector<1x16xi32>
    tpu.vector_store %arg5[%swap3A_52, %swap3A_53], %swap3A_56 {strides = array<i32>} : memref<8x64xi32, #tpu.memory_space<vmem>>, vector<1x16xi32>,
    %get3A_57 = arith.constant 0 : i32
    %get3A_58 = arith.index_cast %get3A_57 : i32 to index
    %get3A_59 = arith.constant 48 : index
    %get3A_60 = tpu.vector_load %arg5[%get3A_58, %get3A_59] {strides = array<i32>} : memref<8x64xi32, #tpu.memory_space<vmem>>, vector<1x16xi32>,
    %get3A_61 = vector.shape_cast %get3A_60 : vector<1x16xi32> to vector<16xi32>
    %mul3A_62 = arith.constant 64 : i32
    %mul3A_63 = vector.broadcast %mul3A_62 : i32 to vector<16xi32>
    %mul3A_64 = arith.muli %get3A_61, %mul3A_63 : vector<16xi32>
    %add3A_65 = arith.constant 48 : i32
    %add3A_66 = vector.broadcast %add3A_65 : i32 to vector<16xi32>
    %add3A_67 = arith.addi %iota3A, %add3A_66 : vector<16xi32>
    %add3A_68 = arith.addi %mul3A_64, %add3A_67 : vector<16xi32>
    %swap3A_69 = arith.constant 0 : i32
    %swap3A_70 = arith.index_cast %swap3A_69 : i32 to index
    %swap3A_71 = arith.constant 48 : index
    %swap3A_72 = tpu.vector_load %arg5[%swap3A_70, %swap3A_71] {strides = array<i32>} : memref<8x64xi32, #tpu.memory_space<vmem>>, vector<1x16xi32>,
    %swap3A_73 = vector.shape_cast %swap3A_72 : vector<1x16xi32> to vector<16xi32>
    %swap3A_74 = vector.shape_cast %add3A_68 : vector<16xi32> to vector<1x16xi32>
    tpu.vector_store %arg5[%swap3A_70, %swap3A_71], %swap3A_74 {strides = array<i32>} : memref<8x64xi32, #tpu.memory_space<vmem>>, vector<1x16xi32>,
    %dma_start3A = arith.constant 0 : i32
    %dma_start3A_75 = arith.constant 0 : i32
    %dma_start3A_76 = tpu.memref_slice %arg5[%dma_start3A, %dma_start3A_75] : memref<8x64xi32, #tpu.memory_space<vmem>> -> memref<1x64xi32, #tpu.memory_space<vmem>>
    %dma_start3A_77 = tpu.memref_squeeze %dma_start3A_76 : memref<1x64xi32, #tpu.memory_space<vmem>> -> memref<64xi32, #tpu.memory_space<vmem>>
    %dma_start3A_78 = arith.constant 0 : i32
    %dma_start3A_79 = arith.constant 0 : i32
    %dma_start3A_80 = tpu.memref_slice %arg2[%dma_start3A_78, %dma_start3A_79] : memref<65536x768xf32, #tpu.memory_space<hbm>> -> memref<65536x768xf32, #tpu.memory_space<hbm>>
    tpu.enqueue_indirect_dma source(%dma_start3A_80 : memref<65536x768xf32, #tpu.memory_space<hbm>>) target(%arg6 : memref<64x768xf32, #tpu.memory_space<vmem>>) offsets(%dma_start3A_77 : memref<64xi32, #tpu.memory_space<vmem>>) semaphore(%arg8 : memref<!tpu.dma_semaphore, #tpu.memory_space<semaphore_mem>>)
    %get3A_81 = arith.constant 1 : i32
    %get3A_82 = arith.index_cast %get3A_81 : i32 to index
    %get3A_83 = arith.constant 0 : index
    %get3A_84 = tpu.vector_load %arg5[%get3A_82, %get3A_83] {strides = array<i32>} : memref<8x64xi32, #tpu.memory_space<vmem>>, vector<1x16xi32>,
    %get3A_85 = vector.shape_cast %get3A_84 : vector<1x16xi32> to vector<16xi32>
    %mul3A_86 = arith.constant 64 : i32
    %mul3A_87 = vector.broadcast %mul3A_86 : i32 to vector<16xi32>
    %mul3A_88 = arith.muli %get3A_85, %mul3A_87 : vector<16xi32>
    %add3A_89 = arith.constant 0 : i32
    %add3A_90 = vector.broadcast %add3A_89 : i32 to vector<16xi32>
    %add3A_91 = arith.addi %iota3A, %add3A_90 : vector<16xi32>
    %add3A_92 = arith.addi %mul3A_88, %add3A_91 : vector<16xi32>
    %swap3A_93 = arith.constant 1 : i32
    %swap3A_94 = arith.index_cast %swap3A_93 : i32 to index
    %swap3A_95 = arith.constant 0 : index
    %swap3A_96 = tpu.vector_load %arg5[%swap3A_94, %swap3A_95] {strides = array<i32>} : memref<8x64xi32, #tpu.memory_space<vmem>>, vector<1x16xi32>,
    %swap3A_97 = vector.shape_cast %swap3A_96 : vector<1x16xi32> to vector<16xi32>
    %swap3A_98 = vector.shape_cast %add3A_92 : vector<16xi32> to vector<1x16xi32>
    tpu.vector_store %arg5[%swap3A_94, %swap3A_95], %swap3A_98 {strides = array<i32>} : memref<8x64xi32, #tpu.memory_space<vmem>>, vector<1x16xi32>,
    %get3A_99 = arith.constant 1 : i32
    %get3A_100 = arith.index_cast %get3A_99 : i32 to index
    %get3A_101 = arith.constant 16 : index
    %get3A_102 = tpu.vector_load %arg5[%get3A_100, %get3A_101] {strides = array<i32>} : memref<8x64xi32, #tpu.memory_space<vmem>>, vector<1x16xi32>,
    %get3A_103 = vector.shape_cast %get3A_102 : vector<1x16xi32> to vector<16xi32>
    %mul3A_104 = arith.constant 64 : i32
    %mul3A_105 = vector.broadcast %mul3A_104 : i32 to vector<16xi32>
    %mul3A_106 = arith.muli %get3A_103, %mul3A_105 : vector<16xi32>
    %add3A_107 = arith.constant 16 : i32
    %add3A_108 = vector.broadcast %add3A_107 : i32 to vector<16xi32>
    %add3A_109 = arith.addi %iota3A, %add3A_108 : vector<16xi32>
    %add3A_110 = arith.addi %mul3A_106, %add3A_109 : vector<16xi32>
    %swap3A_111 = arith.constant 1 : i32
    %swap3A_112 = arith.index_cast %swap3A_111 : i32 to index
    %swap3A_113 = arith.constant 16 : index
    %swap3A_114 = tpu.vector_load %arg5[%swap3A_112, %swap3A_113] {strides = array<i32>} : memref<8x64xi32, #tpu.memory_space<vmem>>, vector<1x16xi32>,
    %swap3A_115 = vector.shape_cast %swap3A_114 : vector<1x16xi32> to vector<16xi32>
    %swap3A_116 = vector.shape_cast %add3A_110 : vector<16xi32> to vector<1x16xi32>
    tpu.vector_store %arg5[%swap3A_112, %swap3A_113], %swap3A_116 {strides = array<i32>} : memref<8x64xi32, #tpu.memory_space<vmem>>, vector<1x16xi32>,
    %get3A_117 = arith.constant 1 : i32
    %get3A_118 = arith.index_cast %get3A_117 : i32 to index
    %get3A_119 = arith.constant 32 : index
    %get3A_120 = tpu.vector_load %arg5[%get3A_118, %get3A_119] {strides = array<i32>} : memref<8x64xi32, #tpu.memory_space<vmem>>, vector<1x16xi32>,
    %get3A_121 = vector.shape_cast %get3A_120 : vector<1x16xi32> to vector<16xi32>
    %mul3A_122 = arith.constant 64 : i32
    %mul3A_123 = vector.broadcast %mul3A_122 : i32 to vector<16xi32>
    %mul3A_124 = arith.muli %get3A_121, %mul3A_123 : vector<16xi32>
    %add3A_125 = arith.constant 32 : i32
    %add3A_126 = vector.broadcast %add3A_125 : i32 to vector<16xi32>
    %add3A_127 = arith.addi %iota3A, %add3A_126 : vector<16xi32>
    %add3A_128 = arith.addi %mul3A_124, %add3A_127 : vector<16xi32>
    %swap3A_129 = arith.constant 1 : i32
    %swap3A_130 = arith.index_cast %swap3A_129 : i32 to index
    %swap3A_131 = arith.constant 32 : index
    %swap3A_132 = tpu.vector_load %arg5[%swap3A_130, %swap3A_131] {strides = array<i32>} : memref<8x64xi32, #tpu.memory_space<vmem>>, vector<1x16xi32>,
    %swap3A_133 = vector.shape_cast %swap3A_132 : vector<1x16xi32> to vector<16xi32>
    %swap3A_134 = vector.shape_cast %add3A_128 : vector<16xi32> to vector<1x16xi32>
    tpu.vector_store %arg5[%swap3A_130, %swap3A_131], %swap3A_134 {strides = array<i32>} : memref<8x64xi32, #tpu.memory_space<vmem>>, vector<1x16xi32>,
    %get3A_135 = arith.constant 1 : i32
    %get3A_136 = arith.index_cast %get3A_135 : i32 to index
    %get3A_137 = arith.constant 48 : index
    %get3A_138 = tpu.vector_load %arg5[%get3A_136, %get3A_137] {strides = array<i32>} : memref<8x64xi32, #tpu.memory_space<vmem>>, vector<1x16xi32>,
    %get3A_139 = vector.shape_cast %get3A_138 : vector<1x16xi32> to vector<16xi32>
    %mul3A_140 = arith.constant 64 : i32
    %mul3A_141 = vector.broadcast %mul3A_140 : i32 to vector<16xi32>
    %mul3A_142 = arith.muli %get3A_139, %mul3A_141 : vector<16xi32>
    %add3A_143 = arith.constant 48 : i32
    %add3A_144 = vector.broadcast %add3A_143 : i32 to vector<16xi32>
    %add3A_145 = arith.addi %iota3A, %add3A_144 : vector<16xi32>
    %add3A_146 = arith.addi %mul3A_142, %add3A_145 : vector<16xi32>
    %swap3A_147 = arith.constant 1 : i32
    %swap3A_148 = arith.index_cast %swap3A_147 : i32 to index
    %swap3A_149 = arith.constant 48 : index
    %swap3A_150 = tpu.vector_load %arg5[%swap3A_148, %swap3A_149] {strides = array<i32>} : memref<8x64xi32, #tpu.memory_space<vmem>>, vector<1x16xi32>,
    %swap3A_151 = vector.shape_cast %swap3A_150 : vector<1x16xi32> to vector<16xi32>
    %swap3A_152 = vector.shape_cast %add3A_146 : vector<16xi32> to vector<1x16xi32>
    tpu.vector_store %arg5[%swap3A_148, %swap3A_149], %swap3A_152 {strides = array<i32>} : memref<8x64xi32, #tpu.memory_space<vmem>>, vector<1x16xi32>,
    %dma_start3A_153 = arith.constant 1 : i32
    %dma_start3A_154 = arith.constant 0 : i32
    %dma_start3A_155 = tpu.memref_slice %arg5[%dma_start3A_153, %dma_start3A_154] : memref<8x64xi32, #tpu.memory_space<vmem>> -> memref<1x64xi32, #tpu.memory_space<vmem>>
    %dma_start3A_156 = tpu.memref_squeeze %dma_start3A_155 : memref<1x64xi32, #tpu.memory_space<vmem>> -> memref<64xi32, #tpu.memory_space<vmem>>
    %dma_start3A_157 = arith.constant 0 : i32
    %dma_start3A_158 = arith.constant 0 : i32
    %dma_start3A_159 = tpu.memref_slice %arg2[%dma_start3A_157, %dma_start3A_158] : memref<65536x768xf32, #tpu.memory_space<hbm>> -> memref<65536x768xf32, #tpu.memory_space<hbm>>
    tpu.enqueue_indirect_dma source(%dma_start3A_159 : memref<65536x768xf32, #tpu.memory_space<hbm>>) target(%arg7 : memref<64x768xf32, #tpu.memory_space<vmem>>) offsets(%dma_start3A_156 : memref<64xi32, #tpu.memory_space<vmem>>) semaphore(%arg8 : memref<!tpu.dma_semaphore, #tpu.memory_space<semaphore_mem>>)
    %dma_wait3A = arith.constant 0 : i32
    %dma_wait3A_160 = arith.constant 0 : i32
    %dma_wait3A_161 = tpu.memref_slice %arg5[%dma_wait3A, %dma_wait3A_160] : memref<8x64xi32, #tpu.memory_space<vmem>> -> memref<1x64xi32, #tpu.memory_space<vmem>>
    %dma_wait3A_162 = tpu.memref_squeeze %dma_wait3A_161 : memref<1x64xi32, #tpu.memory_space<vmem>> -> memref<64xi32, #tpu.memory_space<vmem>>
    %dma_wait3A_163 = arith.constant 0 : i32
    %dma_wait3A_164 = arith.constant 0 : i32
    %dma_wait3A_165 = tpu.memref_slice %arg2[%dma_wait3A_163, %dma_wait3A_164] : memref<65536x768xf32, #tpu.memory_space<hbm>> -> memref<65536x768xf32, #tpu.memory_space<hbm>>
    tpu.wait_indirect_dma semaphore(%arg8 : memref<!tpu.dma_semaphore, #tpu.memory_space<semaphore_mem>>) src(%dma_wait3A_165 : memref<65536x768xf32, #tpu.memory_space<hbm>>) dst(%arg6 : memref<64x768xf32, #tpu.memory_space<vmem>>)
    %add3A_166 = arith.constant 0 : i32
    %add3A_167 = arith.addi %mul3A_2, %add3A_166 : i32
    %dma_start3A_168 = arith.constant 0 : i32
    %dma_start3A_169 = tpu.memref_slice %arg4[%add3A_167, %dma_start3A_168] : memref<16384x768xf32, #tpu.memory_space<hbm>> -> memref<64x768xf32, #tpu.memory_space<hbm>>
    %dma_start3A_170 = arith.constant 0 : i32
    %dma_start3A_171 = tpu.memref_slice %arg4[%add3A_167, %dma_start3A_170] : memref<16384x768xf32, #tpu.memory_space<hbm>> -> memref<64x768xf32, #tpu.memory_space<hbm>>
    tpu.enqueue_dma source(%arg6 : memref<64x768xf32, #tpu.memory_space<vmem>>) target(%dma_start3A_171 : memref<64x768xf32, #tpu.memory_space<hbm>>) target_semaphore(%arg9 : memref<!tpu.dma_semaphore, #tpu.memory_space<semaphore_mem>>)
    %get3A_172 = arith.constant 2 : i32
    %get3A_173 = arith.index_cast %get3A_172 : i32 to index
    %get3A_174 = arith.constant 0 : index
    %get3A_175 = tpu.vector_load %arg5[%get3A_173, %get3A_174] {strides = array<i32>} : memref<8x64xi32, #tpu.memory_space<vmem>>, vector<1x16xi32>,
    %get3A_176 = vector.shape_cast %get3A_175 : vector<1x16xi32> to vector<16xi32>
    %mul3A_177 = arith.constant 64 : i32
    %mul3A_178 = vector.broadcast %mul3A_177 : i32 to vector<16xi32>
    %mul3A_179 = arith.muli %get3A_176, %mul3A_178 : vector<16xi32>
    %add3A_180 = arith.constant 0 : i32
    %add3A_181 = vector.broadcast %add3A_180 : i32 to vector<16xi32>
    %add3A_182 = arith.addi %iota3A, %add3A_181 : vector<16xi32>
    %add3A_183 = arith.addi %mul3A_179, %add3A_182 : vector<16xi32>
    %swap3A_184 = arith.constant 2 : i32
    %swap3A_185 = arith.index_cast %swap3A_184 : i32 to index
    %swap3A_186 = arith.constant 0 : index
    %swap3A_187 = tpu.vector_load %arg5[%swap3A_185, %swap3A_186] {strides = array<i32>} : memref<8x64xi32, #tpu.memory_space<vmem>>, vector<1x16xi32>,
    %swap3A_188 = vector.shape_cast %swap3A_187 : vector<1x16xi32> to vector<16xi32>
    %swap3A_189 = vector.shape_cast %add3A_183 : vector<16xi32> to vector<1x16xi32>
    tpu.vector_store %arg5[%swap3A_185, %swap3A_186], %swap3A_189 {strides = array<i32>} : memref<8x64xi32, #tpu.memory_space<vmem>>, vector<1x16xi32>,
    %get3A_190 = arith.constant 2 : i32
    %get3A_191 = arith.index_cast %get3A_190 : i32 to index
    %get3A_192 = arith.constant 16 : index
    %get3A_193 = tpu.vector_load %arg5[%get3A_191, %get3A_192] {strides = array<i32>} : memref<8x64xi32, #tpu.memory_space<vmem>>, vector<1x16xi32>,
    %get3A_194 = vector.shape_cast %get3A_193 : vector<1x16xi32> to vector<16xi32>
    %mul3A_195 = arith.constant 64 : i32
    %mul3A_196 = vector.broadcast %mul3A_195 : i32 to vector<16xi32>
    %mul3A_197 = arith.muli %get3A_194, %mul3A_196 : vector<16xi32>
    %add3A_198 = arith.constant 16 : i32
    %add3A_199 = vector.broadcast %add3A_198 : i32 to vector<16xi32>
    %add3A_200 = arith.addi %iota3A, %add3A_199 : vector<16xi32>
    %add3A_201 = arith.addi %mul3A_197, %add3A_200 : vector<16xi32>
    %swap3A_202 = arith.constant 2 : i32
    %swap3A_203 = arith.index_cast %swap3A_202 : i32 to index
    %swap3A_204 = arith.constant 16 : index
    %swap3A_205 = tpu.vector_load %arg5[%swap3A_203, %swap3A_204] {strides = array<i32>} : memref<8x64xi32, #tpu.memory_space<vmem>>, vector<1x16xi32>,
    %swap3A_206 = vector.shape_cast %swap3A_205 : vector<1x16xi32> to vector<16xi32>
    %swap3A_207 = vector.shape_cast %add3A_201 : vector<16xi32> to vector<1x16xi32>
    tpu.vector_store %arg5[%swap3A_203, %swap3A_204], %swap3A_207 {strides = array<i32>} : memref<8x64xi32, #tpu.memory_space<vmem>>, vector<1x16xi32>,
    %get3A_208 = arith.constant 2 : i32
    %get3A_209 = arith.index_cast %get3A_208 : i32 to index
    %get3A_210 = arith.constant 32 : index
    %get3A_211 = tpu.vector_load %arg5[%get3A_209, %get3A_210] {strides = array<i32>} : memref<8x64xi32, #tpu.memory_space<vmem>>, vector<1x16xi32>,
    %get3A_212 = vector.shape_cast %get3A_211 : vector<1x16xi32> to vector<16xi32>
    %mul3A_213 = arith.constant 64 : i32
    %mul3A_214 = vector.broadcast %mul3A_213 : i32 to vector<16xi32>
    %mul3A_215 = arith.muli %get3A_212, %mul3A_214 : vector<16xi32>
    %add3A_216 = arith.constant 32 : i32
    %add3A_217 = vector.broadcast %add3A_216 : i32 to vector<16xi32>
    %add3A_218 = arith.addi %iota3A, %add3A_217 : vector<16xi32>
    %add3A_219 = arith.addi %mul3A_215, %add3A_218 : vector<16xi32>
    %swap3A_220 = arith.constant 2 : i32
    %swap3A_221 = arith.index_cast %swap3A_220 : i32 to index
    %swap3A_222 = arith.constant 32 : index
    %swap3A_223 = tpu.vector_load %arg5[%swap3A_221, %swap3A_222] {strides = array<i32>} : memref<8x64xi32, #tpu.memory_space<vmem>>, vector<1x16xi32>,
    %swap3A_224 = vector.shape_cast %swap3A_223 : vector<1x16xi32> to vector<16xi32>
    %swap3A_225 = vector.shape_cast %add3A_219 : vector<16xi32> to vector<1x16xi32>
    tpu.vector_store %arg5[%swap3A_221, %swap3A_222], %swap3A_225 {strides = array<i32>} : memref<8x64xi32, #tpu.memory_space<vmem>>, vector<1x16xi32>,
    %get3A_226 = arith.constant 2 : i32
    %get3A_227 = arith.index_cast %get3A_226 : i32 to index
    %get3A_228 = arith.constant 48 : index
    %get3A_229 = tpu.vector_load %arg5[%get3A_227, %get3A_228] {strides = array<i32>} : memref<8x64xi32, #tpu.memory_space<vmem>>, vector<1x16xi32>,
    %get3A_230 = vector.shape_cast %get3A_229 : vector<1x16xi32> to vector<16xi32>
    %mul3A_231 = arith.constant 64 : i32
    %mul3A_232 = vector.broadcast %mul3A_231 : i32 to vector<16xi32>
    %mul3A_233 = arith.muli %get3A_230, %mul3A_232 : vector<16xi32>
    %add3A_234 = arith.constant 48 : i32
    %add3A_235 = vector.broadcast %add3A_234 : i32 to vector<16xi32>
    %add3A_236 = arith.addi %iota3A, %add3A_235 : vector<16xi32>
    %add3A_237 = arith.addi %mul3A_233, %add3A_236 : vector<16xi32>
    %swap3A_238 = arith.constant 2 : i32
    %swap3A_239 = arith.index_cast %swap3A_238 : i32 to index
    %swap3A_240 = arith.constant 48 : index
    %swap3A_241 = tpu.vector_load %arg5[%swap3A_239, %swap3A_240] {strides = array<i32>} : memref<8x64xi32, #tpu.memory_space<vmem>>, vector<1x16xi32>,
    %swap3A_242 = vector.shape_cast %swap3A_241 : vector<1x16xi32> to vector<16xi32>
    %swap3A_243 = vector.shape_cast %add3A_237 : vector<16xi32> to vector<1x16xi32>
    tpu.vector_store %arg5[%swap3A_239, %swap3A_240], %swap3A_243 {strides = array<i32>} : memref<8x64xi32, #tpu.memory_space<vmem>>, vector<1x16xi32>,
    %dma_wait3A_244 = arith.constant 0 : i32
    %dma_wait3A_245 = tpu.memref_slice %arg4[%add3A_167, %dma_wait3A_244] : memref<16384x768xf32, #tpu.memory_space<hbm>> -> memref<64x768xf32, #tpu.memory_space<hbm>>
    %dma_wait3A_246 = arith.constant 0 : i32
    %dma_wait3A_247 = tpu.memref_slice %arg4[%add3A_167, %dma_wait3A_246] : memref<16384x768xf32, #tpu.memory_space<hbm>> -> memref<64x768xf32, #tpu.memory_space<hbm>>
    tpu.wait_dma2 semaphore(%arg9 : memref<!tpu.dma_semaphore, #tpu.memory_space<semaphore_mem>>) src(%arg6 : memref<64x768xf32, #tpu.memory_space<vmem>>) dst(%dma_wait3A_247 : memref<64x768xf32, #tpu.memory_space<hbm>>)
    %dma_start3A_248 = arith.constant 2 : i32
    %dma_start3A_249 = arith.constant 0 : i32
    %dma_start3A_250 = tpu.memref_slice %arg5[%dma_start3A_248, %dma_start3A_249] : memref<8x64xi32, #tpu.memory_space<vmem>> -> memref<1x64xi32, #tpu.memory_space<vmem>>
    %dma_start3A_251 = tpu.memref_squeeze %dma_start3A_250 : memref<1x64xi32, #tpu.memory_space<vmem>> -> memref<64xi32, #tpu.memory_space<vmem>>
    %dma_start3A_252 = arith.constant 0 : i32
    %dma_start3A_253 = arith.constant 0 : i32
    %dma_start3A_254 = tpu.memref_slice %arg2[%dma_start3A_252, %dma_start3A_253] : memref<65536x768xf32, #tpu.memory_space<hbm>> -> memref<65536x768xf32, #tpu.memory_space<hbm>>
    tpu.enqueue_indirect_dma source(%dma_start3A_254 : memref<65536x768xf32, #tpu.memory_space<hbm>>) target(%arg6 : memref<64x768xf32, #tpu.memory_space<vmem>>) offsets(%dma_start3A_251 : memref<64xi32, #tpu.memory_space<vmem>>) semaphore(%arg8 : memref<!tpu.dma_semaphore, #tpu.memory_space<semaphore_mem>>)
    %dma_wait3A_255 = arith.constant 1 : i32
    %dma_wait3A_256 = arith.constant 0 : i32
    %dma_wait3A_257 = tpu.memref_slice %arg5[%dma_wait3A_255, %dma_wait3A_256] : memref<8x64xi32, #tpu.memory_space<vmem>> -> memref<1x64xi32, #tpu.memory_space<vmem>>
    %dma_wait3A_258 = tpu.memref_squeeze %dma_wait3A_257 : memref<1x64xi32, #tpu.memory_space<vmem>> -> memref<64xi32, #tpu.memory_space<vmem>>
    %dma_wait3A_259 = arith.constant 0 : i32
    %dma_wait3A_260 = arith.constant 0 : i32
    %dma_wait3A_261 = tpu.memref_slice %arg2[%dma_wait3A_259, %dma_wait3A_260] : memref<65536x768xf32, #tpu.memory_space<hbm>> -> memref<65536x768xf32, #tpu.memory_space<hbm>>
    tpu.wait_indirect_dma semaphore(%arg8 : memref<!tpu.dma_semaphore, #tpu.memory_space<semaphore_mem>>) src(%dma_wait3A_261 : memref<65536x768xf32, #tpu.memory_space<hbm>>) dst(%arg7 : memref<64x768xf32, #tpu.memory_space<vmem>>)
    %add3A_262 = arith.constant 64 : i32
    %add3A_263 = arith.addi %mul3A_2, %add3A_262 : i32
    %dma_start3A_264 = arith.constant 0 : i32
    %dma_start3A_265 = tpu.memref_slice %arg4[%add3A_263, %dma_start3A_264] : memref<16384x768xf32, #tpu.memory_space<hbm>> -> memref<64x768xf32, #tpu.memory_space<hbm>>
    %dma_start3A_266 = arith.constant 0 : i32
    %dma_start3A_267 = tpu.memref_slice %arg4[%add3A_263, %dma_start3A_266] : memref<16384x768xf32, #tpu.memory_space<hbm>> -> memref<64x768xf32, #tpu.memory_space<hbm>>
    tpu.enqueue_dma source(%arg7 : memref<64x768xf32, #tpu.memory_space<vmem>>) target(%dma_start3A_267 : memref<64x768xf32, #tpu.memory_space<hbm>>) target_semaphore(%arg9 : memref<!tpu.dma_semaphore, #tpu.memory_space<semaphore_mem>>)
    %get3A_268 = arith.constant 3 : i32
    %get3A_269 = arith.index_cast %get3A_268 : i32 to index
    %get3A_270 = arith.constant 0 : index
    %get3A_271 = tpu.vector_load %arg5[%get3A_269, %get3A_270] {strides = array<i32>} : memref<8x64xi32, #tpu.memory_space<vmem>>, vector<1x16xi32>,
    %get3A_272 = vector.shape_cast %get3A_271 : vector<1x16xi32> to vector<16xi32>
    %mul3A_273 = arith.constant 64 : i32
    %mul3A_274 = vector.broadcast %mul3A_273 : i32 to vector<16xi32>
    %mul3A_275 = arith.muli %get3A_272, %mul3A_274 : vector<16xi32>
    %add3A_276 = arith.constant 0 : i32
    %add3A_277 = vector.broadcast %add3A_276 : i32 to vector<16xi32>
    %add3A_278 = arith.addi %iota3A, %add3A_277 : vector<16xi32>
    %add3A_279 = arith.addi %mul3A_275, %add3A_278 : vector<16xi32>
    %swap3A_280 = arith.constant 3 : i32
    %swap3A_281 = arith.index_cast %swap3A_280 : i32 to index
    %swap3A_282 = arith.constant 0 : index
    %swap3A_283 = tpu.vector_load %arg5[%swap3A_281, %swap3A_282] {strides = array<i32>} : memref<8x64xi32, #tpu.memory_space<vmem>>, vector<1x16xi32>,
    %swap3A_284 = vector.shape_cast %swap3A_283 : vector<1x16xi32> to vector<16xi32>
    %swap3A_285 = vector.shape_cast %add3A_279 : vector<16xi32> to vector<1x16xi32>
    tpu.vector_store %arg5[%swap3A_281, %swap3A_282], %swap3A_285 {strides = array<i32>} : memref<8x64xi32, #tpu.memory_space<vmem>>, vector<1x16xi32>,
    %get3A_286 = arith.constant 3 : i32
    %get3A_287 = arith.index_cast %get3A_286 : i32 to index
    %get3A_288 = arith.constant 16 : index
    %get3A_289 = tpu.vector_load %arg5[%get3A_287, %get3A_288] {strides = array<i32>} : memref<8x64xi32, #tpu.memory_space<vmem>>, vector<1x16xi32>,
    %get3A_290 = vector.shape_cast %get3A_289 : vector<1x16xi32> to vector<16xi32>
    %mul3A_291 = arith.constant 64 : i32
    %mul3A_292 = vector.broadcast %mul3A_291 : i32 to vector<16xi32>
    %mul3A_293 = arith.muli %get3A_290, %mul3A_292 : vector<16xi32>
    %add3A_294 = arith.constant 16 : i32
    %add3A_295 = vector.broadcast %add3A_294 : i32 to vector<16xi32>
    %add3A_296 = arith.addi %iota3A, %add3A_295 : vector<16xi32>
    %add3A_297 = arith.addi %mul3A_293, %add3A_296 : vector<16xi32>
    %swap3A_298 = arith.constant 3 : i32
    %swap3A_299 = arith.index_cast %swap3A_298 : i32 to index
    %swap3A_300 = arith.constant 16 : index
    %swap3A_301 = tpu.vector_load %arg5[%swap3A_299, %swap3A_300] {strides = array<i32>} : memref<8x64xi32, #tpu.memory_space<vmem>>, vector<1x16xi32>,
    %swap3A_302 = vector.shape_cast %swap3A_301 : vector<1x16xi32> to vector<16xi32>
    %swap3A_303 = vector.shape_cast %add3A_297 : vector<16xi32> to vector<1x16xi32>
    tpu.vector_store %arg5[%swap3A_299, %swap3A_300], %swap3A_303 {strides = array<i32>} : memref<8x64xi32, #tpu.memory_space<vmem>>, vector<1x16xi32>,
    %get3A_304 = arith.constant 3 : i32
    %get3A_305 = arith.index_cast %get3A_304 : i32 to index
    %get3A_306 = arith.constant 32 : index
    %get3A_307 = tpu.vector_load %arg5[%get3A_305, %get3A_306] {strides = array<i32>} : memref<8x64xi32, #tpu.memory_space<vmem>>, vector<1x16xi32>,
    %get3A_308 = vector.shape_cast %get3A_307 : vector<1x16xi32> to vector<16xi32>
    %mul3A_309 = arith.constant 64 : i32
    %mul3A_310 = vector.broadcast %mul3A_309 : i32 to vector<16xi32>
    %mul3A_311 = arith.muli %get3A_308, %mul3A_310 : vector<16xi32>
    %add3A_312 = arith.constant 32 : i32
    %add3A_313 = vector.broadcast %add3A_312 : i32 to vector<16xi32>
    %add3A_314 = arith.addi %iota3A, %add3A_313 : vector<16xi32>
    %add3A_315 = arith.addi %mul3A_311, %add3A_314 : vector<16xi32>
    %swap3A_316 = arith.constant 3 : i32
    %swap3A_317 = arith.index_cast %swap3A_316 : i32 to index
    %swap3A_318 = arith.constant 32 : index
    %swap3A_319 = tpu.vector_load %arg5[%swap3A_317, %swap3A_318] {strides = array<i32>} : memref<8x64xi32, #tpu.memory_space<vmem>>, vector<1x16xi32>,
    %swap3A_320 = vector.shape_cast %swap3A_319 : vector<1x16xi32> to vector<16xi32>
    %swap3A_321 = vector.shape_cast %add3A_315 : vector<16xi32> to vector<1x16xi32>
    tpu.vector_store %arg5[%swap3A_317, %swap3A_318], %swap3A_321 {strides = array<i32>} : memref<8x64xi32, #tpu.memory_space<vmem>>, vector<1x16xi32>,
    %get3A_322 = arith.constant 3 : i32
    %get3A_323 = arith.index_cast %get3A_322 : i32 to index
    %get3A_324 = arith.constant 48 : index
    %get3A_325 = tpu.vector_load %arg5[%get3A_323, %get3A_324] {strides = array<i32>} : memref<8x64xi32, #tpu.memory_space<vmem>>, vector<1x16xi32>,
    %get3A_326 = vector.shape_cast %get3A_325 : vector<1x16xi32> to vector<16xi32>
    %mul3A_327 = arith.constant 64 : i32
    %mul3A_328 = vector.broadcast %mul3A_327 : i32 to vector<16xi32>
    %mul3A_329 = arith.muli %get3A_326, %mul3A_328 : vector<16xi32>
    %add3A_330 = arith.constant 48 : i32
    %add3A_331 = vector.broadcast %add3A_330 : i32 to vector<16xi32>
    %add3A_332 = arith.addi %iota3A, %add3A_331 : vector<16xi32>
    %add3A_333 = arith.addi %mul3A_329, %add3A_332 : vector<16xi32>
    %swap3A_334 = arith.constant 3 : i32
    %swap3A_335 = arith.index_cast %swap3A_334 : i32 to index
    %swap3A_336 = arith.constant 48 : index
    %swap3A_337 = tpu.vector_load %arg5[%swap3A_335, %swap3A_336] {strides = array<i32>} : memref<8x64xi32, #tpu.memory_space<vmem>>, vector<1x16xi32>,
    %swap3A_338 = vector.shape_cast %swap3A_337 : vector<1x16xi32> to vector<16xi32>
    %swap3A_339 = vector.shape_cast %add3A_333 : vector<16xi32> to vector<1x16xi32>
    tpu.vector_store %arg5[%swap3A_335, %swap3A_336], %swap3A_339 {strides = array<i32>} : memref<8x64xi32, #tpu.memory_space<vmem>>, vector<1x16xi32>,
    %dma_wait3A_340 = arith.constant 0 : i32
    %dma_wait3A_341 = tpu.memref_slice %arg4[%add3A_263, %dma_wait3A_340] : memref<16384x768xf32, #tpu.memory_space<hbm>> -> memref<64x768xf32, #tpu.memory_space<hbm>>
    %dma_wait3A_342 = arith.constant 0 : i32
    %dma_wait3A_343 = tpu.memref_slice %arg4[%add3A_263, %dma_wait3A_342] : memref<16384x768xf32, #tpu.memory_space<hbm>> -> memref<64x768xf32, #tpu.memory_space<hbm>>
    tpu.wait_dma2 semaphore(%arg9 : memref<!tpu.dma_semaphore, #tpu.memory_space<semaphore_mem>>) src(%arg7 : memref<64x768xf32, #tpu.memory_space<vmem>>) dst(%dma_wait3A_343 : memref<64x768xf32, #tpu.memory_space<hbm>>)
    %dma_start3A_344 = arith.constant 3 : i32
    %dma_start3A_345 = arith.constant 0 : i32
    %dma_start3A_346 = tpu.memref_slice %arg5[%dma_start3A_344, %dma_start3A_345] : memref<8x64xi32, #tpu.memory_space<vmem>> -> memref<1x64xi32, #tpu.memory_space<vmem>>
    %dma_start3A_347 = tpu.memref_squeeze %dma_start3A_346 : memref<1x64xi32, #tpu.memory_space<vmem>> -> memref<64xi32, #tpu.memory_space<vmem>>
    %dma_start3A_348 = arith.constant 0 : i32
    %dma_start3A_349 = arith.constant 0 : i32
    %dma_start3A_350 = tpu.memref_slice %arg2[%dma_start3A_348, %dma_start3A_349] : memref<65536x768xf32, #tpu.memory_space<hbm>> -> memref<65536x768xf32, #tpu.memory_space<hbm>>
    tpu.enqueue_indirect_dma source(%dma_start3A_350 : memref<65536x768xf32, #tpu.memory_space<hbm>>) target(%arg7 : memref<64x768xf32, #tpu.memory_space<vmem>>) offsets(%dma_start3A_347 : memref<64xi32, #tpu.memory_space<vmem>>) semaphore(%arg8 : memref<!tpu.dma_semaphore, #tpu.memory_space<semaphore_mem>>)
    %dma_wait3A_351 = arith.constant 2 : i32
    %dma_wait3A_352 = arith.constant 0 : i32
    %dma_wait3A_353 = tpu.memref_slice %arg5[%dma_wait3A_351, %dma_wait3A_352] : memref<8x64xi32, #tpu.memory_space<vmem>> -> memref<1x64xi32, #tpu.memory_space<vmem>>
    %dma_wait3A_354 = tpu.memref_squeeze %dma_wait3A_353 : memref<1x64xi32, #tpu.memory_space<vmem>> -> memref<64xi32, #tpu.memory_space<vmem>>
    %dma_wait3A_355 = arith.constant 0 : i32
    %dma_wait3A_356 = arith.constant 0 : i32
    %dma_wait3A_357 = tpu.memref_slice %arg2[%dma_wait3A_355, %dma_wait3A_356] : memref<65536x768xf32, #tpu.memory_space<hbm>> -> memref<65536x768xf32, #tpu.memory_space<hbm>>
    tpu.wait_indirect_dma semaphore(%arg8 : memref<!tpu.dma_semaphore, #tpu.memory_space<semaphore_mem>>) src(%dma_wait3A_357 : memref<65536x768xf32, #tpu.memory_space<hbm>>) dst(%arg6 : memref<64x768xf32, #tpu.memory_space<vmem>>)
    %add3A_358 = arith.constant 128 : i32
    %add3A_359 = arith.addi %mul3A_2, %add3A_358 : i32
    %dma_start3A_360 = arith.constant 0 : i32
    %dma_start3A_361 = tpu.memref_slice %arg4[%add3A_359, %dma_start3A_360] : memref<16384x768xf32, #tpu.memory_space<hbm>> -> memref<64x768xf32, #tpu.memory_space<hbm>>
    %dma_start3A_362 = arith.constant 0 : i32
    %dma_start3A_363 = tpu.memref_slice %arg4[%add3A_359, %dma_start3A_362] : memref<16384x768xf32, #tpu.memory_space<hbm>> -> memref<64x768xf32, #tpu.memory_space<hbm>>
    tpu.enqueue_dma source(%arg6 : memref<64x768xf32, #tpu.memory_space<vmem>>) target(%dma_start3A_363 : memref<64x768xf32, #tpu.memory_space<hbm>>) target_semaphore(%arg9 : memref<!tpu.dma_semaphore, #tpu.memory_space<semaphore_mem>>)
    %get3A_364 = arith.constant 4 : i32
    %get3A_365 = arith.index_cast %get3A_364 : i32 to index
    %get3A_366 = arith.constant 0 : index
    %get3A_367 = tpu.vector_load %arg5[%get3A_365, %get3A_366] {strides = array<i32>} : memref<8x64xi32, #tpu.memory_space<vmem>>, vector<1x16xi32>,
    %get3A_368 = vector.shape_cast %get3A_367 : vector<1x16xi32> to vector<16xi32>
    %mul3A_369 = arith.constant 64 : i32
    %mul3A_370 = vector.broadcast %mul3A_369 : i32 to vector<16xi32>
    %mul3A_371 = arith.muli %get3A_368, %mul3A_370 : vector<16xi32>
    %add3A_372 = arith.constant 0 : i32
    %add3A_373 = vector.broadcast %add3A_372 : i32 to vector<16xi32>
    %add3A_374 = arith.addi %iota3A, %add3A_373 : vector<16xi32>
    %add3A_375 = arith.addi %mul3A_371, %add3A_374 : vector<16xi32>
    %swap3A_376 = arith.constant 4 : i32
    %swap3A_377 = arith.index_cast %swap3A_376 : i32 to index
    %swap3A_378 = arith.constant 0 : index
    %swap3A_379 = tpu.vector_load %arg5[%swap3A_377, %swap3A_378] {strides = array<i32>} : memref<8x64xi32, #tpu.memory_space<vmem>>, vector<1x16xi32>,
    %swap3A_380 = vector.shape_cast %swap3A_379 : vector<1x16xi32> to vector<16xi32>
    %swap3A_381 = vector.shape_cast %add3A_375 : vector<16xi32> to vector<1x16xi32>
    tpu.vector_store %arg5[%swap3A_377, %swap3A_378], %swap3A_381 {strides = array<i32>} : memref<8x64xi32, #tpu.memory_space<vmem>>, vector<1x16xi32>,
    %get3A_382 = arith.constant 4 : i32
    %get3A_383 = arith.index_cast %get3A_382 : i32 to index
    %get3A_384 = arith.constant 16 : index
    %get3A_385 = tpu.vector_load %arg5[%get3A_383, %get3A_384] {strides = array<i32>} : memref<8x64xi32, #tpu.memory_space<vmem>>, vector<1x16xi32>,
    %get3A_386 = vector.shape_cast %get3A_385 : vector<1x16xi32> to vector<16xi32>
    %mul3A_387 = arith.constant 64 : i32
    %mul3A_388 = vector.broadcast %mul3A_387 : i32 to vector<16xi32>
    %mul3A_389 = arith.muli %get3A_386, %mul3A_388 : vector<16xi32>
    %add3A_390 = arith.constant 16 : i32
    %add3A_391 = vector.broadcast %add3A_390 : i32 to vector<16xi32>
    %add3A_392 = arith.addi %iota3A, %add3A_391 : vector<16xi32>
    %add3A_393 = arith.addi %mul3A_389, %add3A_392 : vector<16xi32>
    %swap3A_394 = arith.constant 4 : i32
    %swap3A_395 = arith.index_cast %swap3A_394 : i32 to index
    %swap3A_396 = arith.constant 16 : index
    %swap3A_397 = tpu.vector_load %arg5[%swap3A_395, %swap3A_396] {strides = array<i32>} : memref<8x64xi32, #tpu.memory_space<vmem>>, vector<1x16xi32>,
    %swap3A_398 = vector.shape_cast %swap3A_397 : vector<1x16xi32> to vector<16xi32>
    %swap3A_399 = vector.shape_cast %add3A_393 : vector<16xi32> to vector<1x16xi32>
    tpu.vector_store %arg5[%swap3A_395, %swap3A_396], %swap3A_399 {strides = array<i32>} : memref<8x64xi32, #tpu.memory_space<vmem>>, vector<1x16xi32>,
    %get3A_400 = arith.constant 4 : i32
    %get3A_401 = arith.index_cast %get3A_400 : i32 to index
    %get3A_402 = arith.constant 32 : index
    %get3A_403 = tpu.vector_load %arg5[%get3A_401, %get3A_402] {strides = array<i32>} : memref<8x64xi32, #tpu.memory_space<vmem>>, vector<1x16xi32>,
    %get3A_404 = vector.shape_cast %get3A_403 : vector<1x16xi32> to vector<16xi32>
    %mul3A_405 = arith.constant 64 : i32
    %mul3A_406 = vector.broadcast %mul3A_405 : i32 to vector<16xi32>
    %mul3A_407 = arith.muli %get3A_404, %mul3A_406 : vector<16xi32>
    %add3A_408 = arith.constant 32 : i32
    %add3A_409 = vector.broadcast %add3A_408 : i32 to vector<16xi32>
    %add3A_410 = arith.addi %iota3A, %add3A_409 : vector<16xi32>
    %add3A_411 = arith.addi %mul3A_407, %add3A_410 : vector<16xi32>
    %swap3A_412 = arith.constant 4 : i32
    %swap3A_413 = arith.index_cast %swap3A_412 : i32 to index
    %swap3A_414 = arith.constant 32 : index
    %swap3A_415 = tpu.vector_load %arg5[%swap3A_413, %swap3A_414] {strides = array<i32>} : memref<8x64xi32, #tpu.memory_space<vmem>>, vector<1x16xi32>,
    %swap3A_416 = vector.shape_cast %swap3A_415 : vector<1x16xi32> to vector<16xi32>
    %swap3A_417 = vector.shape_cast %add3A_411 : vector<16xi32> to vector<1x16xi32>
    tpu.vector_store %arg5[%swap3A_413, %swap3A_414], %swap3A_417 {strides = array<i32>} : memref<8x64xi32, #tpu.memory_space<vmem>>, vector<1x16xi32>,
    %get3A_418 = arith.constant 4 : i32
    %get3A_419 = arith.index_cast %get3A_418 : i32 to index
    %get3A_420 = arith.constant 48 : index
    %get3A_421 = tpu.vector_load %arg5[%get3A_419, %get3A_420] {strides = array<i32>} : memref<8x64xi32, #tpu.memory_space<vmem>>, vector<1x16xi32>,
    %get3A_422 = vector.shape_cast %get3A_421 : vector<1x16xi32> to vector<16xi32>
    %mul3A_423 = arith.constant 64 : i32
    %mul3A_424 = vector.broadcast %mul3A_423 : i32 to vector<16xi32>
    %mul3A_425 = arith.muli %get3A_422, %mul3A_424 : vector<16xi32>
    %add3A_426 = arith.constant 48 : i32
    %add3A_427 = vector.broadcast %add3A_426 : i32 to vector<16xi32>
    %add3A_428 = arith.addi %iota3A, %add3A_427 : vector<16xi32>
    %add3A_429 = arith.addi %mul3A_425, %add3A_428 : vector<16xi32>
    %swap3A_430 = arith.constant 4 : i32
    %swap3A_431 = arith.index_cast %swap3A_430 : i32 to index
    %swap3A_432 = arith.constant 48 : index
    %swap3A_433 = tpu.vector_load %arg5[%swap3A_431, %swap3A_432] {strides = array<i32>} : memref<8x64xi32, #tpu.memory_space<vmem>>, vector<1x16xi32>,
    %swap3A_434 = vector.shape_cast %swap3A_433 : vector<1x16xi32> to vector<16xi32>
    %swap3A_435 = vector.shape_cast %add3A_429 : vector<16xi32> to vector<1x16xi32>
    tpu.vector_store %arg5[%swap3A_431, %swap3A_432], %swap3A_435 {strides = array<i32>} : memref<8x64xi32, #tpu.memory_space<vmem>>, vector<1x16xi32>,
    %dma_wait3A_436 = arith.constant 0 : i32
    %dma_wait3A_437 = tpu.memref_slice %arg4[%add3A_359, %dma_wait3A_436] : memref<16384x768xf32, #tpu.memory_space<hbm>> -> memref<64x768xf32, #tpu.memory_space<hbm>>
    %dma_wait3A_438 = arith.constant 0 : i32
    %dma_wait3A_439 = tpu.memref_slice %arg4[%add3A_359, %dma_wait3A_438] : memref<16384x768xf32, #tpu.memory_space<hbm>> -> memref<64x768xf32, #tpu.memory_space<hbm>>
    tpu.wait_dma2 semaphore(%arg9 : memref<!tpu.dma_semaphore, #tpu.memory_space<semaphore_mem>>) src(%arg6 : memref<64x768xf32, #tpu.memory_space<vmem>>) dst(%dma_wait3A_439 : memref<64x768xf32, #tpu.memory_space<hbm>>)
    %dma_start3A_440 = arith.constant 4 : i32
    %dma_start3A_441 = arith.constant 0 : i32
    %dma_start3A_442 = tpu.memref_slice %arg5[%dma_start3A_440, %dma_start3A_441] : memref<8x64xi32, #tpu.memory_space<vmem>> -> memref<1x64xi32, #tpu.memory_space<vmem>>
    %dma_start3A_443 = tpu.memref_squeeze %dma_start3A_442 : memref<1x64xi32, #tpu.memory_space<vmem>> -> memref<64xi32, #tpu.memory_space<vmem>>
    %dma_start3A_444 = arith.constant 0 : i32
    %dma_start3A_445 = arith.constant 0 : i32
    %dma_start3A_446 = tpu.memref_slice %arg2[%dma_start3A_444, %dma_start3A_445] : memref<65536x768xf32, #tpu.memory_space<hbm>> -> memref<65536x768xf32, #tpu.memory_space<hbm>>
    tpu.enqueue_indirect_dma source(%dma_start3A_446 : memref<65536x768xf32, #tpu.memory_space<hbm>>) target(%arg6 : memref<64x768xf32, #tpu.memory_space<vmem>>) offsets(%dma_start3A_443 : memref<64xi32, #tpu.memory_space<vmem>>) semaphore(%arg8 : memref<!tpu.dma_semaphore, #tpu.memory_space<semaphore_mem>>)
    %dma_wait3A_447 = arith.constant 3 : i32
    %dma_wait3A_448 = arith.constant 0 : i32
    %dma_wait3A_449 = tpu.memref_slice %arg5[%dma_wait3A_447, %dma_wait3A_448] : memref<8x64xi32, #tpu.memory_space<vmem>> -> memref<1x64xi32, #tpu.memory_space<vmem>>
    %dma_wait3A_450 = tpu.memref_squeeze %dma_wait3A_449 : memref<1x64xi32, #tpu.memory_space<vmem>> -> memref<64xi32, #tpu.memory_space<vmem>>
    %dma_wait3A_451 = arith.constant 0 : i32
    %dma_wait3A_452 = arith.constant 0 : i32
    %dma_wait3A_453 = tpu.memref_slice %arg2[%dma_wait3A_451, %dma_wait3A_452] : memref<65536x768xf32, #tpu.memory_space<hbm>> -> memref<65536x768xf32, #tpu.memory_space<hbm>>
    tpu.wait_indirect_dma semaphore(%arg8 : memref<!tpu.dma_semaphore, #tpu.memory_space<semaphore_mem>>) src(%dma_wait3A_453 : memref<65536x768xf32, #tpu.memory_space<hbm>>) dst(%arg7 : memref<64x768xf32, #tpu.memory_space<vmem>>)
    %add3A_454 = arith.constant 192 : i32
    %add3A_455 = arith.addi %mul3A_2, %add3A_454 : i32
    %dma_start3A_456 = arith.constant 0 : i32
    %dma_start3A_457 = tpu.memref_slice %arg4[%add3A_455, %dma_start3A_456] : memref<16384x768xf32, #tpu.memory_space<hbm>> -> memref<64x768xf32, #tpu.memory_space<hbm>>
    %dma_start3A_458 = arith.constant 0 : i32
    %dma_start3A_459 = tpu.memref_slice %arg4[%add3A_455, %dma_start3A_458] : memref<16384x768xf32, #tpu.memory_space<hbm>> -> memref<64x768xf32, #tpu.memory_space<hbm>>
    tpu.enqueue_dma source(%arg7 : memref<64x768xf32, #tpu.memory_space<vmem>>) target(%dma_start3A_459 : memref<64x768xf32, #tpu.memory_space<hbm>>) target_semaphore(%arg9 : memref<!tpu.dma_semaphore, #tpu.memory_space<semaphore_mem>>)
    %get3A_460 = arith.constant 5 : i32
    %get3A_461 = arith.index_cast %get3A_460 : i32 to index
    %get3A_462 = arith.constant 0 : index
    %get3A_463 = tpu.vector_load %arg5[%get3A_461, %get3A_462] {strides = array<i32>} : memref<8x64xi32, #tpu.memory_space<vmem>>, vector<1x16xi32>,
    %get3A_464 = vector.shape_cast %get3A_463 : vector<1x16xi32> to vector<16xi32>
    %mul3A_465 = arith.constant 64 : i32
    %mul3A_466 = vector.broadcast %mul3A_465 : i32 to vector<16xi32>
    %mul3A_467 = arith.muli %get3A_464, %mul3A_466 : vector<16xi32>
    %add3A_468 = arith.constant 0 : i32
    %add3A_469 = vector.broadcast %add3A_468 : i32 to vector<16xi32>
    %add3A_470 = arith.addi %iota3A, %add3A_469 : vector<16xi32>
    %add3A_471 = arith.addi %mul3A_467, %add3A_470 : vector<16xi32>
    %swap3A_472 = arith.constant 5 : i32
    %swap3A_473 = arith.index_cast %swap3A_472 : i32 to index
    %swap3A_474 = arith.constant 0 : index
    %swap3A_475 = tpu.vector_load %arg5[%swap3A_473, %swap3A_474] {strides = array<i32>} : memref<8x64xi32, #tpu.memory_space<vmem>>, vector<1x16xi32>,
    %swap3A_476 = vector.shape_cast %swap3A_475 : vector<1x16xi32> to vector<16xi32>
    %swap3A_477 = vector.shape_cast %add3A_471 : vector<16xi32> to vector<1x16xi32>
    tpu.vector_store %arg5[%swap3A_473, %swap3A_474], %swap3A_477 {strides = array<i32>} : memref<8x64xi32, #tpu.memory_space<vmem>>, vector<1x16xi32>,
    %get3A_478 = arith.constant 5 : i32
    %get3A_479 = arith.index_cast %get3A_478 : i32 to index
    %get3A_480 = arith.constant 16 : index
    %get3A_481 = tpu.vector_load %arg5[%get3A_479, %get3A_480] {strides = array<i32>} : memref<8x64xi32, #tpu.memory_space<vmem>>, vector<1x16xi32>,
    %get3A_482 = vector.shape_cast %get3A_481 : vector<1x16xi32> to vector<16xi32>
    %mul3A_483 = arith.constant 64 : i32
    %mul3A_484 = vector.broadcast %mul3A_483 : i32 to vector<16xi32>
    %mul3A_485 = arith.muli %get3A_482, %mul3A_484 : vector<16xi32>
    %add3A_486 = arith.constant 16 : i32
    %add3A_487 = vector.broadcast %add3A_486 : i32 to vector<16xi32>
    %add3A_488 = arith.addi %iota3A, %add3A_487 : vector<16xi32>
    %add3A_489 = arith.addi %mul3A_485, %add3A_488 : vector<16xi32>
    %swap3A_490 = arith.constant 5 : i32
    %swap3A_491 = arith.index_cast %swap3A_490 : i32 to index
    %swap3A_492 = arith.constant 16 : index
    %swap3A_493 = tpu.vector_load %arg5[%swap3A_491, %swap3A_492] {strides = array<i32>} : memref<8x64xi32, #tpu.memory_space<vmem>>, vector<1x16xi32>,
    %swap3A_494 = vector.shape_cast %swap3A_493 : vector<1x16xi32> to vector<16xi32>
    %swap3A_495 = vector.shape_cast %add3A_489 : vector<16xi32> to vector<1x16xi32>
    tpu.vector_store %arg5[%swap3A_491, %swap3A_492], %swap3A_495 {strides = array<i32>} : memref<8x64xi32, #tpu.memory_space<vmem>>, vector<1x16xi32>,
    %get3A_496 = arith.constant 5 : i32
    %get3A_497 = arith.index_cast %get3A_496 : i32 to index
    %get3A_498 = arith.constant 32 : index
    %get3A_499 = tpu.vector_load %arg5[%get3A_497, %get3A_498] {strides = array<i32>} : memref<8x64xi32, #tpu.memory_space<vmem>>, vector<1x16xi32>,
    %get3A_500 = vector.shape_cast %get3A_499 : vector<1x16xi32> to vector<16xi32>
    %mul3A_501 = arith.constant 64 : i32
    %mul3A_502 = vector.broadcast %mul3A_501 : i32 to vector<16xi32>
    %mul3A_503 = arith.muli %get3A_500, %mul3A_502 : vector<16xi32>
    %add3A_504 = arith.constant 32 : i32
    %add3A_505 = vector.broadcast %add3A_504 : i32 to vector<16xi32>
    %add3A_506 = arith.addi %iota3A, %add3A_505 : vector<16xi32>
    %add3A_507 = arith.addi %mul3A_503, %add3A_506 : vector<16xi32>
    %swap3A_508 = arith.constant 5 : i32
    %swap3A_509 = arith.index_cast %swap3A_508 : i32 to index
    %swap3A_510 = arith.constant 32 : index
    %swap3A_511 = tpu.vector_load %arg5[%swap3A_509, %swap3A_510] {strides = array<i32>} : memref<8x64xi32, #tpu.memory_space<vmem>>, vector<1x16xi32>,
    %swap3A_512 = vector.shape_cast %swap3A_511 : vector<1x16xi32> to vector<16xi32>
    %swap3A_513 = vector.shape_cast %add3A_507 : vector<16xi32> to vector<1x16xi32>
    tpu.vector_store %arg5[%swap3A_509, %swap3A_510], %swap3A_513 {strides = array<i32>} : memref<8x64xi32, #tpu.memory_space<vmem>>, vector<1x16xi32>,
    %get3A_514 = arith.constant 5 : i32
    %get3A_515 = arith.index_cast %get3A_514 : i32 to index
    %get3A_516 = arith.constant 48 : index
    %get3A_517 = tpu.vector_load %arg5[%get3A_515, %get3A_516] {strides = array<i32>} : memref<8x64xi32, #tpu.memory_space<vmem>>, vector<1x16xi32>,
    %get3A_518 = vector.shape_cast %get3A_517 : vector<1x16xi32> to vector<16xi32>
    %mul3A_519 = arith.constant 64 : i32
    %mul3A_520 = vector.broadcast %mul3A_519 : i32 to vector<16xi32>
    %mul3A_521 = arith.muli %get3A_518, %mul3A_520 : vector<16xi32>
    %add3A_522 = arith.constant 48 : i32
    %add3A_523 = vector.broadcast %add3A_522 : i32 to vector<16xi32>
    %add3A_524 = arith.addi %iota3A, %add3A_523 : vector<16xi32>
    %add3A_525 = arith.addi %mul3A_521, %add3A_524 : vector<16xi32>
    %swap3A_526 = arith.constant 5 : i32
    %swap3A_527 = arith.index_cast %swap3A_526 : i32 to index
    %swap3A_528 = arith.constant 48 : index
    %swap3A_529 = tpu.vector_load %arg5[%swap3A_527, %swap3A_528] {strides = array<i32>} : memref<8x64xi32, #tpu.memory_space<vmem>>, vector<1x16xi32>,
    %swap3A_530 = vector.shape_cast %swap3A_529 : vector<1x16xi32> to vector<16xi32>
    %swap3A_531 = vector.shape_cast %add3A_525 : vector<16xi32> to vector<1x16xi32>
    tpu.vector_store %arg5[%swap3A_527, %swap3A_528], %swap3A_531 {strides = array<i32>} : memref<8x64xi32, #tpu.memory_space<vmem>>, vector<1x16xi32>,
    %dma_wait3A_532 = arith.constant 0 : i32
    %dma_wait3A_533 = tpu.memref_slice %arg4[%add3A_455, %dma_wait3A_532] : memref<16384x768xf32, #tpu.memory_space<hbm>> -> memref<64x768xf32, #tpu.memory_space<hbm>>
    %dma_wait3A_534 = arith.constant 0 : i32
    %dma_wait3A_535 = tpu.memref_slice %arg4[%add3A_455, %dma_wait3A_534] : memref<16384x768xf32, #tpu.memory_space<hbm>> -> memref<64x768xf32, #tpu.memory_space<hbm>>
    tpu.wait_dma2 semaphore(%arg9 : memref<!tpu.dma_semaphore, #tpu.memory_space<semaphore_mem>>) src(%arg7 : memref<64x768xf32, #tpu.memory_space<vmem>>) dst(%dma_wait3A_535 : memref<64x768xf32, #tpu.memory_space<hbm>>)
    %dma_start3A_536 = arith.constant 5 : i32
    %dma_start3A_537 = arith.constant 0 : i32
    %dma_start3A_538 = tpu.memref_slice %arg5[%dma_start3A_536, %dma_start3A_537] : memref<8x64xi32, #tpu.memory_space<vmem>> -> memref<1x64xi32, #tpu.memory_space<vmem>>
    %dma_start3A_539 = tpu.memref_squeeze %dma_start3A_538 : memref<1x64xi32, #tpu.memory_space<vmem>> -> memref<64xi32, #tpu.memory_space<vmem>>
    %dma_start3A_540 = arith.constant 0 : i32
    %dma_start3A_541 = arith.constant 0 : i32
    %dma_start3A_542 = tpu.memref_slice %arg2[%dma_start3A_540, %dma_start3A_541] : memref<65536x768xf32, #tpu.memory_space<hbm>> -> memref<65536x768xf32, #tpu.memory_space<hbm>>
    tpu.enqueue_indirect_dma source(%dma_start3A_542 : memref<65536x768xf32, #tpu.memory_space<hbm>>) target(%arg7 : memref<64x768xf32, #tpu.memory_space<vmem>>) offsets(%dma_start3A_539 : memref<64xi32, #tpu.memory_space<vmem>>) semaphore(%arg8 : memref<!tpu.dma_semaphore, #tpu.memory_space<semaphore_mem>>)
    %dma_wait3A_543 = arith.constant 4 : i32
    %dma_wait3A_544 = arith.constant 0 : i32
    %dma_wait3A_545 = tpu.memref_slice %arg5[%dma_wait3A_543, %dma_wait3A_544] : memref<8x64xi32, #tpu.memory_space<vmem>> -> memref<1x64xi32, #tpu.memory_space<vmem>>
    %dma_wait3A_546 = tpu.memref_squeeze %dma_wait3A_545 : memref<1x64xi32, #tpu.memory_space<vmem>> -> memref<64xi32, #tpu.memory_space<vmem>>
    %dma_wait3A_547 = arith.constant 0 : i32
    %dma_wait3A_548 = arith.constant 0 : i32
    %dma_wait3A_549 = tpu.memref_slice %arg2[%dma_wait3A_547, %dma_wait3A_548] : memref<65536x768xf32, #tpu.memory_space<hbm>> -> memref<65536x768xf32, #tpu.memory_space<hbm>>
    tpu.wait_indirect_dma semaphore(%arg8 : memref<!tpu.dma_semaphore, #tpu.memory_space<semaphore_mem>>) src(%dma_wait3A_549 : memref<65536x768xf32, #tpu.memory_space<hbm>>) dst(%arg6 : memref<64x768xf32, #tpu.memory_space<vmem>>)
    %add3A_550 = arith.constant 256 : i32
    %add3A_551 = arith.addi %mul3A_2, %add3A_550 : i32
    %dma_start3A_552 = arith.constant 0 : i32
    %dma_start3A_553 = tpu.memref_slice %arg4[%add3A_551, %dma_start3A_552] : memref<16384x768xf32, #tpu.memory_space<hbm>> -> memref<64x768xf32, #tpu.memory_space<hbm>>
    %dma_start3A_554 = arith.constant 0 : i32
    %dma_start3A_555 = tpu.memref_slice %arg4[%add3A_551, %dma_start3A_554] : memref<16384x768xf32, #tpu.memory_space<hbm>> -> memref<64x768xf32, #tpu.memory_space<hbm>>
    tpu.enqueue_dma source(%arg6 : memref<64x768xf32, #tpu.memory_space<vmem>>) target(%dma_start3A_555 : memref<64x768xf32, #tpu.memory_space<hbm>>) target_semaphore(%arg9 : memref<!tpu.dma_semaphore, #tpu.memory_space<semaphore_mem>>)
    %get3A_556 = arith.constant 6 : i32
    %get3A_557 = arith.index_cast %get3A_556 : i32 to index
    %get3A_558 = arith.constant 0 : index
    %get3A_559 = tpu.vector_load %arg5[%get3A_557, %get3A_558] {strides = array<i32>} : memref<8x64xi32, #tpu.memory_space<vmem>>, vector<1x16xi32>,
    %get3A_560 = vector.shape_cast %get3A_559 : vector<1x16xi32> to vector<16xi32>
    %mul3A_561 = arith.constant 64 : i32
    %mul3A_562 = vector.broadcast %mul3A_561 : i32 to vector<16xi32>
    %mul3A_563 = arith.muli %get3A_560, %mul3A_562 : vector<16xi32>
    %add3A_564 = arith.constant 0 : i32
    %add3A_565 = vector.broadcast %add3A_564 : i32 to vector<16xi32>
    %add3A_566 = arith.addi %iota3A, %add3A_565 : vector<16xi32>
    %add3A_567 = arith.addi %mul3A_563, %add3A_566 : vector<16xi32>
    %swap3A_568 = arith.constant 6 : i32
    %swap3A_569 = arith.index_cast %swap3A_568 : i32 to index
    %swap3A_570 = arith.constant 0 : index
    %swap3A_571 = tpu.vector_load %arg5[%swap3A_569, %swap3A_570] {strides = array<i32>} : memref<8x64xi32, #tpu.memory_space<vmem>>, vector<1x16xi32>,
    %swap3A_572 = vector.shape_cast %swap3A_571 : vector<1x16xi32> to vector<16xi32>
    %swap3A_573 = vector.shape_cast %add3A_567 : vector<16xi32> to vector<1x16xi32>
    tpu.vector_store %arg5[%swap3A_569, %swap3A_570], %swap3A_573 {strides = array<i32>} : memref<8x64xi32, #tpu.memory_space<vmem>>, vector<1x16xi32>,
    %get3A_574 = arith.constant 6 : i32
    %get3A_575 = arith.index_cast %get3A_574 : i32 to index
    %get3A_576 = arith.constant 16 : index
    %get3A_577 = tpu.vector_load %arg5[%get3A_575, %get3A_576] {strides = array<i32>} : memref<8x64xi32, #tpu.memory_space<vmem>>, vector<1x16xi32>,
    %get3A_578 = vector.shape_cast %get3A_577 : vector<1x16xi32> to vector<16xi32>
    %mul3A_579 = arith.constant 64 : i32
    %mul3A_580 = vector.broadcast %mul3A_579 : i32 to vector<16xi32>
    %mul3A_581 = arith.muli %get3A_578, %mul3A_580 : vector<16xi32>
    %add3A_582 = arith.constant 16 : i32
    %add3A_583 = vector.broadcast %add3A_582 : i32 to vector<16xi32>
    %add3A_584 = arith.addi %iota3A, %add3A_583 : vector<16xi32>
    %add3A_585 = arith.addi %mul3A_581, %add3A_584 : vector<16xi32>
    %swap3A_586 = arith.constant 6 : i32
    %swap3A_587 = arith.index_cast %swap3A_586 : i32 to index
    %swap3A_588 = arith.constant 16 : index
    %swap3A_589 = tpu.vector_load %arg5[%swap3A_587, %swap3A_588] {strides = array<i32>} : memref<8x64xi32, #tpu.memory_space<vmem>>, vector<1x16xi32>,
    %swap3A_590 = vector.shape_cast %swap3A_589 : vector<1x16xi32> to vector<16xi32>
    %swap3A_591 = vector.shape_cast %add3A_585 : vector<16xi32> to vector<1x16xi32>
    tpu.vector_store %arg5[%swap3A_587, %swap3A_588], %swap3A_591 {strides = array<i32>} : memref<8x64xi32, #tpu.memory_space<vmem>>, vector<1x16xi32>,
    %get3A_592 = arith.constant 6 : i32
    %get3A_593 = arith.index_cast %get3A_592 : i32 to index
    %get3A_594 = arith.constant 32 : index
    %get3A_595 = tpu.vector_load %arg5[%get3A_593, %get3A_594] {strides = array<i32>} : memref<8x64xi32, #tpu.memory_space<vmem>>, vector<1x16xi32>,
    %get3A_596 = vector.shape_cast %get3A_595 : vector<1x16xi32> to vector<16xi32>
    %mul3A_597 = arith.constant 64 : i32
    %mul3A_598 = vector.broadcast %mul3A_597 : i32 to vector<16xi32>
    %mul3A_599 = arith.muli %get3A_596, %mul3A_598 : vector<16xi32>
    %add3A_600 = arith.constant 32 : i32
    %add3A_601 = vector.broadcast %add3A_600 : i32 to vector<16xi32>
    %add3A_602 = arith.addi %iota3A, %add3A_601 : vector<16xi32>
    %add3A_603 = arith.addi %mul3A_599, %add3A_602 : vector<16xi32>
    %swap3A_604 = arith.constant 6 : i32
    %swap3A_605 = arith.index_cast %swap3A_604 : i32 to index
    %swap3A_606 = arith.constant 32 : index
    %swap3A_607 = tpu.vector_load %arg5[%swap3A_605, %swap3A_606] {strides = array<i32>} : memref<8x64xi32, #tpu.memory_space<vmem>>, vector<1x16xi32>,
    %swap3A_608 = vector.shape_cast %swap3A_607 : vector<1x16xi32> to vector<16xi32>
    %swap3A_609 = vector.shape_cast %add3A_603 : vector<16xi32> to vector<1x16xi32>
    tpu.vector_store %arg5[%swap3A_605, %swap3A_606], %swap3A_609 {strides = array<i32>} : memref<8x64xi32, #tpu.memory_space<vmem>>, vector<1x16xi32>,
    %get3A_610 = arith.constant 6 : i32
    %get3A_611 = arith.index_cast %get3A_610 : i32 to index
    %get3A_612 = arith.constant 48 : index
    %get3A_613 = tpu.vector_load %arg5[%get3A_611, %get3A_612] {strides = array<i32>} : memref<8x64xi32, #tpu.memory_space<vmem>>, vector<1x16xi32>,
    %get3A_614 = vector.shape_cast %get3A_613 : vector<1x16xi32> to vector<16xi32>
    %mul3A_615 = arith.constant 64 : i32
    %mul3A_616 = vector.broadcast %mul3A_615 : i32 to vector<16xi32>
    %mul3A_617 = arith.muli %get3A_614, %mul3A_616 : vector<16xi32>
    %add3A_618 = arith.constant 48 : i32
    %add3A_619 = vector.broadcast %add3A_618 : i32 to vector<16xi32>
    %add3A_620 = arith.addi %iota3A, %add3A_619 : vector<16xi32>
    %add3A_621 = arith.addi %mul3A_617, %add3A_620 : vector<16xi32>
    %swap3A_622 = arith.constant 6 : i32
    %swap3A_623 = arith.index_cast %swap3A_622 : i32 to index
    %swap3A_624 = arith.constant 48 : index
    %swap3A_625 = tpu.vector_load %arg5[%swap3A_623, %swap3A_624] {strides = array<i32>} : memref<8x64xi32, #tpu.memory_space<vmem>>, vector<1x16xi32>,
    %swap3A_626 = vector.shape_cast %swap3A_625 : vector<1x16xi32> to vector<16xi32>
    %swap3A_627 = vector.shape_cast %add3A_621 : vector<16xi32> to vector<1x16xi32>
    tpu.vector_store %arg5[%swap3A_623, %swap3A_624], %swap3A_627 {strides = array<i32>} : memref<8x64xi32, #tpu.memory_space<vmem>>, vector<1x16xi32>,
    %dma_wait3A_628 = arith.constant 0 : i32
    %dma_wait3A_629 = tpu.memref_slice %arg4[%add3A_551, %dma_wait3A_628] : memref<16384x768xf32, #tpu.memory_space<hbm>> -> memref<64x768xf32, #tpu.memory_space<hbm>>
    %dma_wait3A_630 = arith.constant 0 : i32
    %dma_wait3A_631 = tpu.memref_slice %arg4[%add3A_551, %dma_wait3A_630] : memref<16384x768xf32, #tpu.memory_space<hbm>> -> memref<64x768xf32, #tpu.memory_space<hbm>>
    tpu.wait_dma2 semaphore(%arg9 : memref<!tpu.dma_semaphore, #tpu.memory_space<semaphore_mem>>) src(%arg6 : memref<64x768xf32, #tpu.memory_space<vmem>>) dst(%dma_wait3A_631 : memref<64x768xf32, #tpu.memory_space<hbm>>)
    %dma_start3A_632 = arith.constant 6 : i32
    %dma_start3A_633 = arith.constant 0 : i32
    %dma_start3A_634 = tpu.memref_slice %arg5[%dma_start3A_632, %dma_start3A_633] : memref<8x64xi32, #tpu.memory_space<vmem>> -> memref<1x64xi32, #tpu.memory_space<vmem>>
    %dma_start3A_635 = tpu.memref_squeeze %dma_start3A_634 : memref<1x64xi32, #tpu.memory_space<vmem>> -> memref<64xi32, #tpu.memory_space<vmem>>
    %dma_start3A_636 = arith.constant 0 : i32
    %dma_start3A_637 = arith.constant 0 : i32
    %dma_start3A_638 = tpu.memref_slice %arg2[%dma_start3A_636, %dma_start3A_637] : memref<65536x768xf32, #tpu.memory_space<hbm>> -> memref<65536x768xf32, #tpu.memory_space<hbm>>
    tpu.enqueue_indirect_dma source(%dma_start3A_638 : memref<65536x768xf32, #tpu.memory_space<hbm>>) target(%arg6 : memref<64x768xf32, #tpu.memory_space<vmem>>) offsets(%dma_start3A_635 : memref<64xi32, #tpu.memory_space<vmem>>) semaphore(%arg8 : memref<!tpu.dma_semaphore, #tpu.memory_space<semaphore_mem>>)
    %dma_wait3A_639 = arith.constant 5 : i32
    %dma_wait3A_640 = arith.constant 0 : i32
    %dma_wait3A_641 = tpu.memref_slice %arg5[%dma_wait3A_639, %dma_wait3A_640] : memref<8x64xi32, #tpu.memory_space<vmem>> -> memref<1x64xi32, #tpu.memory_space<vmem>>
    %dma_wait3A_642 = tpu.memref_squeeze %dma_wait3A_641 : memref<1x64xi32, #tpu.memory_space<vmem>> -> memref<64xi32, #tpu.memory_space<vmem>>
    %dma_wait3A_643 = arith.constant 0 : i32
    %dma_wait3A_644 = arith.constant 0 : i32
    %dma_wait3A_645 = tpu.memref_slice %arg2[%dma_wait3A_643, %dma_wait3A_644] : memref<65536x768xf32, #tpu.memory_space<hbm>> -> memref<65536x768xf32, #tpu.memory_space<hbm>>
    tpu.wait_indirect_dma semaphore(%arg8 : memref<!tpu.dma_semaphore, #tpu.memory_space<semaphore_mem>>) src(%dma_wait3A_645 : memref<65536x768xf32, #tpu.memory_space<hbm>>) dst(%arg7 : memref<64x768xf32, #tpu.memory_space<vmem>>)
    %add3A_646 = arith.constant 320 : i32
    %add3A_647 = arith.addi %mul3A_2, %add3A_646 : i32
    %dma_start3A_648 = arith.constant 0 : i32
    %dma_start3A_649 = tpu.memref_slice %arg4[%add3A_647, %dma_start3A_648] : memref<16384x768xf32, #tpu.memory_space<hbm>> -> memref<64x768xf32, #tpu.memory_space<hbm>>
    %dma_start3A_650 = arith.constant 0 : i32
    %dma_start3A_651 = tpu.memref_slice %arg4[%add3A_647, %dma_start3A_650] : memref<16384x768xf32, #tpu.memory_space<hbm>> -> memref<64x768xf32, #tpu.memory_space<hbm>>
    tpu.enqueue_dma source(%arg7 : memref<64x768xf32, #tpu.memory_space<vmem>>) target(%dma_start3A_651 : memref<64x768xf32, #tpu.memory_space<hbm>>) target_semaphore(%arg9 : memref<!tpu.dma_semaphore, #tpu.memory_space<semaphore_mem>>)
    %get3A_652 = arith.constant 7 : i32
    %get3A_653 = arith.index_cast %get3A_652 : i32 to index
    %get3A_654 = arith.constant 0 : index
    %get3A_655 = tpu.vector_load %arg5[%get3A_653, %get3A_654] {strides = array<i32>} : memref<8x64xi32, #tpu.memory_space<vmem>>, vector<1x16xi32>,
    %get3A_656 = vector.shape_cast %get3A_655 : vector<1x16xi32> to vector<16xi32>
    %mul3A_657 = arith.constant 64 : i32
    %mul3A_658 = vector.broadcast %mul3A_657 : i32 to vector<16xi32>
    %mul3A_659 = arith.muli %get3A_656, %mul3A_658 : vector<16xi32>
    %add3A_660 = arith.constant 0 : i32
    %add3A_661 = vector.broadcast %add3A_660 : i32 to vector<16xi32>
    %add3A_662 = arith.addi %iota3A, %add3A_661 : vector<16xi32>
    %add3A_663 = arith.addi %mul3A_659, %add3A_662 : vector<16xi32>
    %swap3A_664 = arith.constant 7 : i32
    %swap3A_665 = arith.index_cast %swap3A_664 : i32 to index
    %swap3A_666 = arith.constant 0 : index
    %swap3A_667 = tpu.vector_load %arg5[%swap3A_665, %swap3A_666] {strides = array<i32>} : memref<8x64xi32, #tpu.memory_space<vmem>>, vector<1x16xi32>,
    %swap3A_668 = vector.shape_cast %swap3A_667 : vector<1x16xi32> to vector<16xi32>
    %swap3A_669 = vector.shape_cast %add3A_663 : vector<16xi32> to vector<1x16xi32>
    tpu.vector_store %arg5[%swap3A_665, %swap3A_666], %swap3A_669 {strides = array<i32>} : memref<8x64xi32, #tpu.memory_space<vmem>>, vector<1x16xi32>,
    %get3A_670 = arith.constant 7 : i32
    %get3A_671 = arith.index_cast %get3A_670 : i32 to index
    %get3A_672 = arith.constant 16 : index
    %get3A_673 = tpu.vector_load %arg5[%get3A_671, %get3A_672] {strides = array<i32>} : memref<8x64xi32, #tpu.memory_space<vmem>>, vector<1x16xi32>,
    %get3A_674 = vector.shape_cast %get3A_673 : vector<1x16xi32> to vector<16xi32>
    %mul3A_675 = arith.constant 64 : i32
    %mul3A_676 = vector.broadcast %mul3A_675 : i32 to vector<16xi32>
    %mul3A_677 = arith.muli %get3A_674, %mul3A_676 : vector<16xi32>
    %add3A_678 = arith.constant 16 : i32
    %add3A_679 = vector.broadcast %add3A_678 : i32 to vector<16xi32>
    %add3A_680 = arith.addi %iota3A, %add3A_679 : vector<16xi32>
    %add3A_681 = arith.addi %mul3A_677, %add3A_680 : vector<16xi32>
    %swap3A_682 = arith.constant 7 : i32
    %swap3A_683 = arith.index_cast %swap3A_682 : i32 to index
    %swap3A_684 = arith.constant 16 : index
    %swap3A_685 = tpu.vector_load %arg5[%swap3A_683, %swap3A_684] {strides = array<i32>} : memref<8x64xi32, #tpu.memory_space<vmem>>, vector<1x16xi32>,
    %swap3A_686 = vector.shape_cast %swap3A_685 : vector<1x16xi32> to vector<16xi32>
    %swap3A_687 = vector.shape_cast %add3A_681 : vector<16xi32> to vector<1x16xi32>
    tpu.vector_store %arg5[%swap3A_683, %swap3A_684], %swap3A_687 {strides = array<i32>} : memref<8x64xi32, #tpu.memory_space<vmem>>, vector<1x16xi32>,
    %get3A_688 = arith.constant 7 : i32
    %get3A_689 = arith.index_cast %get3A_688 : i32 to index
    %get3A_690 = arith.constant 32 : index
    %get3A_691 = tpu.vector_load %arg5[%get3A_689, %get3A_690] {strides = array<i32>} : memref<8x64xi32, #tpu.memory_space<vmem>>, vector<1x16xi32>,
    %get3A_692 = vector.shape_cast %get3A_691 : vector<1x16xi32> to vector<16xi32>
    %mul3A_693 = arith.constant 64 : i32
    %mul3A_694 = vector.broadcast %mul3A_693 : i32 to vector<16xi32>
    %mul3A_695 = arith.muli %get3A_692, %mul3A_694 : vector<16xi32>
    %add3A_696 = arith.constant 32 : i32
    %add3A_697 = vector.broadcast %add3A_696 : i32 to vector<16xi32>
    %add3A_698 = arith.addi %iota3A, %add3A_697 : vector<16xi32>
    %add3A_699 = arith.addi %mul3A_695, %add3A_698 : vector<16xi32>
    %swap3A_700 = arith.constant 7 : i32
    %swap3A_701 = arith.index_cast %swap3A_700 : i32 to index
    %swap3A_702 = arith.constant 32 : index
    %swap3A_703 = tpu.vector_load %arg5[%swap3A_701, %swap3A_702] {strides = array<i32>} : memref<8x64xi32, #tpu.memory_space<vmem>>, vector<1x16xi32>,
    %swap3A_704 = vector.shape_cast %swap3A_703 : vector<1x16xi32> to vector<16xi32>
    %swap3A_705 = vector.shape_cast %add3A_699 : vector<16xi32> to vector<1x16xi32>
    tpu.vector_store %arg5[%swap3A_701, %swap3A_702], %swap3A_705 {strides = array<i32>} : memref<8x64xi32, #tpu.memory_space<vmem>>, vector<1x16xi32>,
    %get3A_706 = arith.constant 7 : i32
    %get3A_707 = arith.index_cast %get3A_706 : i32 to index
    %get3A_708 = arith.constant 48 : index
    %get3A_709 = tpu.vector_load %arg5[%get3A_707, %get3A_708] {strides = array<i32>} : memref<8x64xi32, #tpu.memory_space<vmem>>, vector<1x16xi32>,
    %get3A_710 = vector.shape_cast %get3A_709 : vector<1x16xi32> to vector<16xi32>
    %mul3A_711 = arith.constant 64 : i32
    %mul3A_712 = vector.broadcast %mul3A_711 : i32 to vector<16xi32>
    %mul3A_713 = arith.muli %get3A_710, %mul3A_712 : vector<16xi32>
    %add3A_714 = arith.constant 48 : i32
    %add3A_715 = vector.broadcast %add3A_714 : i32 to vector<16xi32>
    %add3A_716 = arith.addi %iota3A, %add3A_715 : vector<16xi32>
    %add3A_717 = arith.addi %mul3A_713, %add3A_716 : vector<16xi32>
    %swap3A_718 = arith.constant 7 : i32
    %swap3A_719 = arith.index_cast %swap3A_718 : i32 to index
    %swap3A_720 = arith.constant 48 : index
    %swap3A_721 = tpu.vector_load %arg5[%swap3A_719, %swap3A_720] {strides = array<i32>} : memref<8x64xi32, #tpu.memory_space<vmem>>, vector<1x16xi32>,
    %swap3A_722 = vector.shape_cast %swap3A_721 : vector<1x16xi32> to vector<16xi32>
    %swap3A_723 = vector.shape_cast %add3A_717 : vector<16xi32> to vector<1x16xi32>
    tpu.vector_store %arg5[%swap3A_719, %swap3A_720], %swap3A_723 {strides = array<i32>} : memref<8x64xi32, #tpu.memory_space<vmem>>, vector<1x16xi32>,
    %dma_wait3A_724 = arith.constant 0 : i32
    %dma_wait3A_725 = tpu.memref_slice %arg4[%add3A_647, %dma_wait3A_724] : memref<16384x768xf32, #tpu.memory_space<hbm>> -> memref<64x768xf32, #tpu.memory_space<hbm>>
    %dma_wait3A_726 = arith.constant 0 : i32
    %dma_wait3A_727 = tpu.memref_slice %arg4[%add3A_647, %dma_wait3A_726] : memref<16384x768xf32, #tpu.memory_space<hbm>> -> memref<64x768xf32, #tpu.memory_space<hbm>>
    tpu.wait_dma2 semaphore(%arg9 : memref<!tpu.dma_semaphore, #tpu.memory_space<semaphore_mem>>) src(%arg7 : memref<64x768xf32, #tpu.memory_space<vmem>>) dst(%dma_wait3A_727 : memref<64x768xf32, #tpu.memory_space<hbm>>)
    %dma_start3A_728 = arith.constant 7 : i32
    %dma_start3A_729 = arith.constant 0 : i32
    %dma_start3A_730 = tpu.memref_slice %arg5[%dma_start3A_728, %dma_start3A_729] : memref<8x64xi32, #tpu.memory_space<vmem>> -> memref<1x64xi32, #tpu.memory_space<vmem>>
    %dma_start3A_731 = tpu.memref_squeeze %dma_start3A_730 : memref<1x64xi32, #tpu.memory_space<vmem>> -> memref<64xi32, #tpu.memory_space<vmem>>
    %dma_start3A_732 = arith.constant 0 : i32
    %dma_start3A_733 = arith.constant 0 : i32
    %dma_start3A_734 = tpu.memref_slice %arg2[%dma_start3A_732, %dma_start3A_733] : memref<65536x768xf32, #tpu.memory_space<hbm>> -> memref<65536x768xf32, #tpu.memory_space<hbm>>
    tpu.enqueue_indirect_dma source(%dma_start3A_734 : memref<65536x768xf32, #tpu.memory_space<hbm>>) target(%arg7 : memref<64x768xf32, #tpu.memory_space<vmem>>) offsets(%dma_start3A_731 : memref<64xi32, #tpu.memory_space<vmem>>) semaphore(%arg8 : memref<!tpu.dma_semaphore, #tpu.memory_space<semaphore_mem>>)
    %dma_wait3A_735 = arith.constant 6 : i32
    %dma_wait3A_736 = arith.constant 0 : i32
    %dma_wait3A_737 = tpu.memref_slice %arg5[%dma_wait3A_735, %dma_wait3A_736] : memref<8x64xi32, #tpu.memory_space<vmem>> -> memref<1x64xi32, #tpu.memory_space<vmem>>
    %dma_wait3A_738 = tpu.memref_squeeze %dma_wait3A_737 : memref<1x64xi32, #tpu.memory_space<vmem>> -> memref<64xi32, #tpu.memory_space<vmem>>
    %dma_wait3A_739 = arith.constant 0 : i32
    %dma_wait3A_740 = arith.constant 0 : i32
    %dma_wait3A_741 = tpu.memref_slice %arg2[%dma_wait3A_739, %dma_wait3A_740] : memref<65536x768xf32, #tpu.memory_space<hbm>> -> memref<65536x768xf32, #tpu.memory_space<hbm>>
    tpu.wait_indirect_dma semaphore(%arg8 : memref<!tpu.dma_semaphore, #tpu.memory_space<semaphore_mem>>) src(%dma_wait3A_741 : memref<65536x768xf32, #tpu.memory_space<hbm>>) dst(%arg6 : memref<64x768xf32, #tpu.memory_space<vmem>>)
    %add3A_742 = arith.constant 384 : i32
    %add3A_743 = arith.addi %mul3A_2, %add3A_742 : i32
    %dma_start3A_744 = arith.constant 0 : i32
    %dma_start3A_745 = tpu.memref_slice %arg4[%add3A_743, %dma_start3A_744] : memref<16384x768xf32, #tpu.memory_space<hbm>> -> memref<64x768xf32, #tpu.memory_space<hbm>>
    %dma_start3A_746 = arith.constant 0 : i32
    %dma_start3A_747 = tpu.memref_slice %arg4[%add3A_743, %dma_start3A_746] : memref<16384x768xf32, #tpu.memory_space<hbm>> -> memref<64x768xf32, #tpu.memory_space<hbm>>
    tpu.enqueue_dma source(%arg6 : memref<64x768xf32, #tpu.memory_space<vmem>>) target(%dma_start3A_747 : memref<64x768xf32, #tpu.memory_space<hbm>>) target_semaphore(%arg9 : memref<!tpu.dma_semaphore, #tpu.memory_space<semaphore_mem>>)
    %dma_wait3A_748 = arith.constant 7 : i32
    %dma_wait3A_749 = arith.constant 0 : i32
    %dma_wait3A_750 = tpu.memref_slice %arg5[%dma_wait3A_748, %dma_wait3A_749] : memref<8x64xi32, #tpu.memory_space<vmem>> -> memref<1x64xi32, #tpu.memory_space<vmem>>
    %dma_wait3A_751 = tpu.memref_squeeze %dma_wait3A_750 : memref<1x64xi32, #tpu.memory_space<vmem>> -> memref<64xi32, #tpu.memory_space<vmem>>
    %dma_wait3A_752 = arith.constant 0 : i32
    %dma_wait3A_753 = arith.constant 0 : i32
    %dma_wait3A_754 = tpu.memref_slice %arg2[%dma_wait3A_752, %dma_wait3A_753] : memref<65536x768xf32, #tpu.memory_space<hbm>> -> memref<65536x768xf32, #tpu.memory_space<hbm>>
    tpu.wait_indirect_dma semaphore(%arg8 : memref<!tpu.dma_semaphore, #tpu.memory_space<semaphore_mem>>) src(%dma_wait3A_754 : memref<65536x768xf32, #tpu.memory_space<hbm>>) dst(%arg7 : memref<64x768xf32, #tpu.memory_space<vmem>>)
    %add3A_755 = arith.constant 448 : i32
    %add3A_756 = arith.addi %mul3A_2, %add3A_755 : i32
    %dma_start3A_757 = arith.constant 0 : i32
    %dma_start3A_758 = tpu.memref_slice %arg4[%add3A_756, %dma_start3A_757] : memref<16384x768xf32, #tpu.memory_space<hbm>> -> memref<64x768xf32, #tpu.memory_space<hbm>>
    %dma_start3A_759 = arith.constant 0 : i32
    %dma_start3A_760 = tpu.memref_slice %arg4[%add3A_756, %dma_start3A_759] : memref<16384x768xf32, #tpu.memory_space<hbm>> -> memref<64x768xf32, #tpu.memory_space<hbm>>
    tpu.enqueue_dma source(%arg7 : memref<64x768xf32, #tpu.memory_space<vmem>>) target(%dma_start3A_760 : memref<64x768xf32, #tpu.memory_space<hbm>>) target_semaphore(%arg9 : memref<!tpu.dma_semaphore, #tpu.memory_space<semaphore_mem>>)
    %dma_wait3A_761 = arith.constant 0 : i32
    %dma_wait3A_762 = tpu.memref_slice %arg4[%add3A_743, %dma_wait3A_761] : memref<16384x768xf32, #tpu.memory_space<hbm>> -> memref<64x768xf32, #tpu.memory_space<hbm>>
    %dma_wait3A_763 = arith.constant 0 : i32
    %dma_wait3A_764 = tpu.memref_slice %arg4[%add3A_743, %dma_wait3A_763] : memref<16384x768xf32, #tpu.memory_space<hbm>> -> memref<64x768xf32, #tpu.memory_space<hbm>>
    tpu.wait_dma2 semaphore(%arg9 : memref<!tpu.dma_semaphore, #tpu.memory_space<semaphore_mem>>) src(%arg6 : memref<64x768xf32, #tpu.memory_space<vmem>>) dst(%dma_wait3A_764 : memref<64x768xf32, #tpu.memory_space<hbm>>)
    %dma_wait3A_765 = arith.constant 0 : i32
    %dma_wait3A_766 = tpu.memref_slice %arg4[%add3A_756, %dma_wait3A_765] : memref<16384x768xf32, #tpu.memory_space<hbm>> -> memref<64x768xf32, #tpu.memory_space<hbm>>
    %dma_wait3A_767 = arith.constant 0 : i32
    %dma_wait3A_768 = tpu.memref_slice %arg4[%add3A_756, %dma_wait3A_767] : memref<16384x768xf32, #tpu.memory_space<hbm>> -> memref<64x768xf32, #tpu.memory_space<hbm>>
    tpu.wait_dma2 semaphore(%arg9 : memref<!tpu.dma_semaphore, #tpu.memory_space<semaphore_mem>>) src(%arg7 : memref<64x768xf32, #tpu.memory_space<vmem>>) dst(%dma_wait3A_768 : memref<64x768xf32, #tpu.memory_space<hbm>>)
    return
  }
}

</mosaic_0001>

<sc_bundles>
// kernel: kernel.3.cloned.1.call-start
scs
__scs_entry_jumppad:
0x0: {  	(pc) =	sbr.rel $0x88, $3  }
0x1: {  	(tag) =	ssettag $0x0;
	lr =	simm.s32 $0x1  }
0x2: {  	[smem:$0x3F9E] =	sst lr;
	_ =	strace $0xD0000000  }
0x3: {  	_ = 	snop  }
0x4: {  	_ = 	snop  }
0x5: {  	_ = 	snop  }
0x6: {  	_ = 	snop  }
0x7: {  	_ = 	snop  }
__scs_overlays_trampoline_lowered:
0x8: {  	[smem:$0x3FAD] =	sst s0  }
0x9: {  	[smem:$0x3FAE] =	sst s1  }
0xa: {  	[smem:$0x3FAF] =	sst s2  }
0xb: {  	[smem:$0x3FB0] =	sst s3  }
0xc: {  	[smem:$0x3FB1] =	sst s4  }
0xd: {  	[smem:$0x3FB2] =	sst s5  }
0xe: {  	[smem:$0x3FB3] =	sst s6  }
0xf: {  	[smem:$0x3FB4] =	sst s7  }
0x10: {  	[smem:$0x3FB5] =	sst s8  }
0x11: {  	[smem:$0x3FB6] =	sst s9;
	s0 =	simm.s32 @!p0 $0x0  }
0x12: {  	s1 =	sld [smem:$0x3F9C];
	s0 =	simm.s32 @p0 $0x1  }
0x13: {  	[smem:$0x3FB7] =	sst s0;
	s0 =	simm.s32 @!p1 $0x0  }
0x14: {  	s2 =	sld [smem:$0x3F9B];
	s0 =	simm.s32 @p1 $0x1  }
0x15: {  	[smem:$0x3FB8] =	sst s0;
	s0 =	simm.s32 @!p2 $0x0  }
0x16: {  	s3 =	sld [smem:$0x3FDB];
	s0 =	simm.s32 @p2 $0x1  }
0x17: {  	s4 =	simm.s32 $0x1BF5;
	[smem:$0x3FBA] =	sst s0  }
0x18: {  	s0 =	sld [smem:$0x3F9D];
	_ =	swait.ge [sflag:s4], $0x0  }
0x19: {  	s7 =	sld [smem:$0x3F9E]  }
0x1a: {  	s8 =	sadd.s32 $0xFFFFE003, lr  }
0x1b: {  	s9 =	sadd.s32 $0xFFFFFEF7, lr;
	s5 =	simm.s32 $0xFFFFFFFF;
	p2 =	slt.u32 s8, $0xFFFFF086  }
0x1c: {  	p1 =	slt.u32 s9, $0xF7A;
	s5 =	simm.s32 @!p2 $0x0  }
0x1d: {  	s5 =	simm.s32 @p1 $0x1;
	p0 =	seq.s32 s7, s2  }
0x1e: {  	s7 =	smul.u32 @!p0 $0xF7A, s2;
	p2 =	seq.s32 @!p0 s5, $0x0  }
0x1f: {  	s9 =	smul.u32 $0xF7A, s1;
	s8 =	simm.s32 @!p0 $0x1BF5;
	p2 =	por !p2, p0  }
0x20: {  	[sflag:s8] =	ssyncset.s32 @!p0 $0xFFFFF086;
	s6 =	sadd.s32 @!p0 s3, s7;
	s7 =	simm.s32 @!p0 $0x108  }
0x21: {  	s3 =	sadd.s32 s3, s9;
	s6 =	sadd.s32 @!p0 $0x88, s6;
	s7 =	simm.s32 @p2 $0x1082  }
0x22: {  	[simem:s7], [sflag:s8] =	dma.local @!p0 [hbm:s6], $0xF7A  }
0x23: {  	s9 =	sor.u32 $0xD0000000, s2;
	s6 =	simm.s32 $0x108;
	_ =	swait.ge @!p0 [sflag:s8], $0x0  }
0x24: {  	s3 =	sadd.s32 $0x88, s3;
	s6 =	simm.s32 @!p1 $0x1082;
	[sflag:s4] =	ssyncset.s32 $0xFFFFF086  }
0x25: {  	[simem:s6], [sflag:s4] =	dma.local [hbm:s3], $0xF7A  }
0x26: {  	[smem:$0x3F9E] =	sst s1;
	(tag) =	ssettag s2;
	_ =	strace s9  }
0x27: {  	s1 =	sld [smem:$0x3FAE]  }
0x28: {  	s2 =	sld [smem:$0x3FAF]  }
0x29: {  	s4 =	sld [smem:$0x3FB1]  }
0x2a: {  	p0 =	seq.s32 s5, $0x0;
	s5 =	sld [smem:$0x3FB2]  }
0x2b: {  	s6 =	sld [smem:$0x3FB3]  }
0x2c: {  	s7 =	sld [smem:$0x3FB4]  }
0x2d: {  	s3 =	simm.s32 $0x108;
	s8 =	sld [smem:$0x3FB5]  }
0x2e: {  	s3 =	simm.s32 @!p0 $0x1082;
	s9 =	sld [smem:$0x3FB6]  }
0x2f: {  	lr =	sadd.s32 s0, s3;
	s0 =	sld [smem:$0x3FAD]  }
0x30: {  	s3 =	sld [smem:$0x3FB0]  }
0x31: {  	[smem:$0x3FB9] =	sst s10  }
0x32: {  	s10 =	sld [smem:$0x3FB7];
	_ =	sdelay $0x3  }
0x33: {  	p0 =	seq.s32 s10, $0x1;
	s10 =	sld [smem:$0x3FB9];
	_ =	sdelay $0x3  }
0x34: {  	[smem:$0x3FB9] =	sst s10  }
0x35: {  	s10 =	sld [smem:$0x3FB8];
	_ =	sdelay $0x3  }
0x36: {  	p1 =	seq.s32 s10, $0x1;
	s10 =	sld [smem:$0x3FB9];
	_ =	sdelay $0x3  }
0x37: {  	[smem:$0x3FB9] =	sst s10  }
0x38: {  	s10 =	sld [smem:$0x3FBA]  }
0x39: {  	_ = 	snop;
	(pc) =	sbr.ind lr, $3  }
0x3a: {  	_ = 	snop  }
0x3b: {  	_ = 	snop  }
0x3c: {  	p2 =	seq.s32 s10, $0x1;
	s10 =	sld [smem:$0x3FB9]  }
0x3d: {  	_ =	shalt  }
0x3e: {  	_ =	shalt  }
0x3f: {  	_ =	shalt  }
0x40: {  	_ =	shalt  }
0x41: {  	_ =	shalt  }
0x42: {  	_ =	shalt  }
0x43: {  	_ =	shalt  }
0x44: {  	_ =	shalt  }
0x45: {  	_ =	shalt  }
0x46: {  	_ =	shalt  }
0x47: {  	_ =	shalt  }
0x48: {  	_ =	shalt  }
0x49: {  	_ =	shalt  }
0x4a: {  	_ =	shalt  }
0x4b: {  	_ =	shalt  }
0x4c: {  	_ =	shalt  }
0x4d: {  	_ =	shalt  }
0x4e: {  	_ =	shalt  }
0x4f: {  	_ =	shalt  }
0x50: {  	_ =	shalt  }
0x51: {  	_ =	shalt  }
0x52: {  	_ =	shalt  }
0x53: {  	_ =	shalt  }
0x54: {  	_ =	shalt  }
0x55: {  	_ =	shalt  }
0x56: {  	_ =	shalt  }
0x57: {  	_ =	shalt  }
0x58: {  	_ =	shalt  }
0x59: {  	_ =	shalt  }
0x5a: {  	_ =	shalt  }
0x5b: {  	_ =	shalt  }
0x5c: {  	_ =	shalt  }
0x5d: {  	_ =	shalt  }
0x5e: {  	_ =	shalt  }
0x5f: {  	_ =	shalt  }
0x60: {  	_ =	shalt  }
0x61: {  	_ =	shalt  }
0x62: {  	_ =	shalt  }
0x63: {  	_ =	shalt  }
0x64: {  	_ =	shalt  }
0x65: {  	_ =	shalt  }
0x66: {  	_ =	shalt  }
0x67: {  	_ =	shalt  }
0x68: {  	_ =	shalt  }
0x69: {  	_ =	shalt  }
0x6a: {  	_ =	shalt  }
0x6b: {  	_ =	shalt  }
0x6c: {  	_ =	shalt  }
0x6d: {  	_ =	shalt  }
0x6e: {  	_ =	shalt  }
0x6f: {  	_ =	shalt  }
0x70: {  	_ =	shalt  }
0x71: {  	_ =	shalt  }
0x72: {  	_ =	shalt  }
0x73: {  	_ =	shalt  }
0x74: {  	_ =	shalt  }
0x75: {  	_ =	shalt  }
0x76: {  	_ =	shalt  }
0x77: {  	_ =	shalt  }
0x78: {  	_ =	shalt  }
0x79: {  	_ =	shalt  }
0x7a: {  	_ =	shalt  }
0x7b: {  	_ =	shalt  }
0x7c: {  	_ =	shalt  }
0x7d: {  	_ =	shalt  }
0x7e: {  	_ =	shalt  }
0x7f: {  	_ =	shalt  }
0x80: {  	_ =	shalt  }
0x81: {  	_ =	shalt  }
0x82: {  	_ =	shalt  }
0x83: {  	_ =	shalt  }
0x84: {  	_ =	shalt  }
0x85: {  	_ =	shalt  }
0x86: {  	_ =	shalt  }
0x87: {  	_ =	shalt  }
.Lfunc_end0:
.L_simem_size_0:
called_computation_lowered:
.L_overlay_start_0:
0x88: {  	s2 =	sld [smem:$0x3FD9]  }
0x89: {  	s3 =	sld [smem:$0x3FFE];
	_ =	sdelay $0x1  }
0x8a: {  	s1 =	srdreg.scid  }
0x8b: {  	s0 =	sand.u32 $0x1, s1  }
0x8c: {  	s14 =	sshll.u32 s0, $0xA;
	s2 =	sadd.s32 s3, s2  }
0x8d: {  	s2 =	sadd.s32 s2, s14  }
0x8e: {  	[smem:$0x3FC5] =	sst s2  }
0x8f: {  	_ = 	snop  }
0x90: {  	s2 =	sld [smem:$0x3FD0];
	_ =	sdelay $0x2  }
0x91: {  	s4 =	simm.s32 $0xA;
	s5 =	simm.s32 $0x10;
	s15 =	sld [smem:$0x3FC9]  }
0x92: {  	[smem:s5], [sflag:s4] =	dma.local [hbm:s2], $0x1  }
0x93: {  	_ =	swait.eq [sflag:s4], $0x1  }
0x94: {  	[sflag:s4] =	ssyncset.done $0x0  }
0x95: {  	[sflag:s4] =	ssyncadd.s32 $0xFFFFFFFF  }
0x96: {  	s16 =	sld [smem:$0x10];
	(tm) =	ssettm $0x1  }
0x97: {  	s17 =	sld [smem:$0x3FFB];
	_ =	sdelay $0x3  }
0x98: {  	_ =	strace s17  }
0x99: {  	s4 =	sld [smem:$0x3FFC];
	_ =	sdelay $0x3  }
0x9a: {  	_ =	strace s4  }
0x9b: {  	s4 =	sld [smem:$0x3FFD];
	_ =	sdelay $0x3  }
0x9c: {  	_ =	strace s4  }
0x9d: {  	_ =	strace $0x8FFFFFFF  }
0x9e: {  	s18 =	sld [smem:$0x3FDB];
	_ =	sdelay $0x1  }
0x9f: {  	s19 =	simm.s32 $_scs_section_size  }
0xa0: {  	s6 =	simm.s32 $_size__tile_overlayer_lowered;
	s7 =	simm.s32 $_tile_overlayer_lowered  }
0xa1: {  	s22 =	simm.s32 $0x1BFF;
	s21 =	sshll.u32 s7, $0x1;
	s4 =	sadd.s32 s19, s18  }
0xa2: {  	s8 =	simm.s32 $0x0;
	s20 =	sshll.u32 s6, $0x1;
	s6 =	sadd.s32 s21, s4  }
0xa3: {  	[timem:s8], [sflag:s22] =	dma.local [hbm:s6], s20  }
0xa4: {  	_ =	swait.ge [sflag:s22], s20  }
0xa5: {  	s5 =	ssub.s32 $0x0, s20;
	[sflag:s22] =	ssyncset.done $0x0  }
0xa6: {  	[sflag:s22] =	ssyncadd.s32 s5;
	_ =	sdelay $0x1  }
0xa7: {  	s23 =	simm.s32 $0x1B8B  }
0xa8: {  	_ =	swait.ge [sflag:s23], $0x1  }
0xa9: {  	[sflag:s23] =	ssyncset.done $0x0  }
0xaa: {  	s25 =	simm.s32 $0x1B8E;
	s24 =	sld [smem:$0x3FFE];
	[sflag:s23] =	ssyncadd.s32 $0xFFFFFFFF  }
0xab: {  	s26 =	simm.s32 $execute0_lowered;
	[smem:$0x3FD2] =	sst s25  }
0xac: {  	s6 =	sshll.u32 s26, $0x1;
	_ =	strace $0x80000046;
	[dreg:$0x1] =	wrdreg $0xFFFFFFFF  }
0xad: {  	s28 =	simm.s32 $_size_execute0_lowered;
	s4 =	sadd.s32 s4, s6;
	[dreg:$0x0] =	wrdreg $0x0  }
0xae: {  	s6 =	sshll.u32 s28, $0x1;
	[dreg:$0x2] =	wrdreg s4  }
0xaf: {  	[dreg:$0x3] =	wrdreg s6  }
0xb0: {  	[dreg:$0x4] =	wrdreg $0xC0  }
0xb1: {  	_ =	task [dreg:s8], $0x5FFFF  }
0xb2: {  	[dreg:$0x1] =	wrdreg $0xFFFFFFFF  }
0xb3: {  	[dreg:$0x0] =	wrdreg $0x60  }
0xb4: {  	[dreg:$0x2] =	wrdreg s15  }
0xb5: {  	[dreg:$0x3] =	wrdreg s24  }
0xb6: {  	[dreg:$0x4] =	wrdreg s16  }
0xb7: {  	[dreg:$0x5] =	wrdreg $0x9  }
0xb8: {  	_ =	task.clear_ibuf [dreg:s8], $0x6FFFF;
	_ =	strace $0x90000046  }
0xb9: {  	s29 =	simm.s32 $0x9;
	_ =	strace $0x80000048  }
0xba: {  	_ =	swait.ge [sflag:s29], $0x1  }
0xbb: {  	[sflag:s29] =	ssyncadd.s32 $0xFFFFFFFF  }
0xbc: {  	_ =	strace $0x90000048  }
0xbd: {  	_ =	sfence  }
0xbe: {  	s30 =	sld [smem:$0x0];
	_ =	sdelay $0x2  }
0xbf: {  	s31 =	sshll.u32 s1, $0xD;
	s1 =	sshrl.u32 s1, $0x2  }
0xc0: {  	s3 =	sand.u32 $0x4000, s31;
	s1 =	sadd.s32 s1, s30  }
0xc1: {  	s0 =	sor.u32 s3, s0;
	s1 =	sshll.u32 s1, $0x11  }
0xc2: {  	s0 =	sor.u32 s1, s0  }
0xc3: {  	s0 =	sadd.s32 $0x8F2B, s0  }
0xc4: {  	[sflag:s0] =	ssyncadd.remote.s32 $0x1  }
0xc5: {  	_ =	sfence.sel $0xFFFF  }
0xc6: {  	[dreg:$0x0] =	wrdreg $0xFFFFFFFF;
	(pc) =	sbr.abs _section_cstart, $3  }
0xc7: {  	[dreg:$0x1] =	wrdreg $0xFFFFFFFF  }
0xc8: {  	_ =	task.clear_ibuf [dreg:s8], $0x2FFFF;
	_ =	strace $0x9FFFFFFF  }
0xc9: {  	(tm) =	ssettm $0x7FFFFFFF  }
tec
execute0_lowered:
.L_overlay_start_1:
0x0: {  	(tag) =	ssettag $0x1  }
0x1: {  	s1 =	rddreg [dreg:$0x0]  }
0x2: {  	s2 =	srdreg.scid;
	s3 =	stileid.u32  }
0x3: {  	s0 =	rddreg [dreg:$0x1];
	s2 =	sand.u32 $0x1, s2;
	s3 =	sshll.u32 s3, $0x1  }
0x4: {  	s4 =	rddreg [dreg:$0x2];
	s13 =	simm.s32 $0x400;
	s5 =	sor.u32 s2, s3  }
0x5: {  	s8 =	simm.s32 $0x2;
	s3 =	simm.s32 $0x0;
	s6 =	sshll.u32 s5, $0x7  }
0x6: {  	s2 =	ssub.s32 $0x2, s2;
	s7 =	smul.u32 $0xC000, s5;
	s0 =	sadd.s32 s6, s0  }
0x7: {  	[smem:$0x7FF] =	sst s3;
	s5 =	smul.u32 $0x60000, s5;
	s0 =	sadd.s32 $0x800, s0  }
0x8: {  	_ =	strace $0x80000047;
	s22 =	sadd.s32 s4, s7;
	[dreg:$0x4] =	wrdreg s0  }
0x9: {  	s5 =	sshrl.u32 s5, $0x3;
	s23 =	sadd.s32 $0x1800, s22;
	[dreg:$0xc] =	wrdreg s22  }
0xa: {  	s24 =	sadd.s32 $0x3000, s22;
	s4 =	sadd.s32 s4, s5;
	[dreg:$0x5] =	wrdreg s23  }
0xb: {  	s28 =	sshrl.u32 s2, $0x1;
	[dreg:$0x6] =	wrdreg s24;
	s25 =	sadd.s32 $0x4800, s4  }
0xc: {  	s2 =	ssub.s32 s2, s28;
	s26 =	sadd.s32 $0x6000, s4;
	[dreg:$0x7] =	wrdreg s25  }
0xd: {  	v0 =	vlaneseq.u32;
	s6 =	sadd.s32 $0x200, s1;
	s29 =	sadd.s32 $0x7800, s4;
	[dreg:$0x8] =	wrdreg s26  }
0xe: {  	vm0 =	vmmov $0xffff;
	v1 =	vor.u32 $0x10, v0;
	s7 =	smax.u32 s2, $0x1;
	s30 =	sadd.s32 $0x9000, s4;
	[dreg:$0x9] =	wrdreg s29  }
0xf: {  	v2 =	vor.u32 $0x20, v0;
	v3 =	vor.u32 $0x30, v0;
	v5 =	vshrl.u32 v0, $0x3;
	s5 =	sadd.s32 $0x100, s1;
	s31 =	sadd.s32 $0xA800, s4;
	[dreg:$0xa] =	wrdreg s30  }
0x10: {  	v4 =	vand.u32 $0x7, v0;
	v6 =	vor.u32 $0x8, v0;
	v5 =	vmul.u32 $0x8, v5;
	s0 =	simm.s32 $0x1;
	s4 =	simm.s32 $0xC400;
	[dreg:$0xb] =	wrdreg s31  }
.LBB2_1:
0x11: {  	s10 =	rddreg [dreg:$0x4];
	s12 =	simm.s32 $0x3  }
0x12: {  	[tilespmem:s3], [sflag:$0x3] =	stream.linear.gather [hbm4b:s10+s3], $0x400, $0x38;
	[tilespmem:$0x18400] =	vst v63  }
0x13: {  	_ =	swait.ge [sflag:s12], $0x400  }
0x14: {  	[sflag:s12] =	ssyncset.done $0x0  }
0x15: {  	[sflag:s12] =	ssyncadd.s32 $0xFFFFFC00  }
0x16: {  	v7 =	vld [tilespmem:$0x0];
	_ =	sdelay $0x4  }
0x17: {  	v7 =	vshll.u32 v7, $0x6  }
0x18: {  	v7 =	vor.u32 v0, v7  }
0x19: {  	v8 =	vshrl.u32 v7, $0x3  }
0x1a: {  	v9 =	vld [tilespmem:$0x10];
	v8 =	vmul.u32 $0x30, v8  }
0x1b: {  	v10 =	vld [tilespmem:$0x20]  }
0x1c: {  	v11 =	vld [tilespmem:$0x30];
	v8 =	vor.u32 v4, v8  }
0x1d: {  	v12 =	vperm.xlane v8, v4;
	_ =	sdelay $0x1  }
0x1e: {  	v9 =	vshll.u32 v9, $0x6;
	v12 =	vadd.s32 v5, v12  }
0x1f: {  	v32 =	vshll.u32 v10, $0x6;
	[tilespmem:$0x0] =	vst v7;
	v7 =	vor.u32 v1, v9  }
0x20: {  	v33 =	vshll.u32 v11, $0x6;
	[tilespmem:$0x10] =	vst v7;
	v7 =	vor.u32 v2, v32  }
0x21: {  	[tilespmem:$0x20] =	vst v7;
	v7 =	vor.u32 v3, v33  }
0x22: {  	[tilespmem:$0x30] =	vst v7;
	v7 =	vperm.xlane v8, v6  }
0x23: {  	[tilespmem:s13], [sflag:$0x1] =	stream.indirect_vreg.gather [hbm4b:s1+s3], $0x80, v12, vm0, $0xb8;
	[tilespmem:$0x18400] =	vst v63  }
0x24: {  	s2 =	simm.s32 $0xC00;
	v7 =	vadd.s32 v5, v7  }
0x25: {  	[tilespmem:s2], [sflag:$0x1] =	stream.indirect_vreg.gather [hbm4b:s5+s3], $0x80, v12, vm0, $0xb8;
	[tilespmem:$0x18400] =	vst v63  }
0x26: {  	s14 =	simm.s32 $0x1400  }
0x27: {  	[tilespmem:s14], [sflag:$0x1] =	stream.indirect_vreg.gather [hbm4b:s6+s3], $0x80, v12, vm0, $0xb8;
	[tilespmem:$0x18400] =	vst v63  }
0x28: {  	s15 =	simm.s32 $0x1C00  }
0x29: {  	[tilespmem:s15], [sflag:$0x1] =	stream.indirect_vreg.gather [hbm4b:s1+s3], $0x80, v7, vm0, $0xb8;
	[tilespmem:$0x18400] =	vst v63  }
0x2a: {  	s16 =	simm.s32 $0x2400  }
0x2b: {  	[tilespmem:s16], [sflag:$0x1] =	stream.indirect_vreg.gather [hbm4b:s5+s3], $0x80, v7, vm0, $0xb8;
	[tilespmem:$0x18400] =	vst v63  }
0x2c: {  	s17 =	simm.s32 $0x2C00  }
0x2d: {  	[tilespmem:s17], [sflag:$0x1] =	stream.indirect_vreg.gather [hbm4b:s6+s3], $0x80, v7, vm0, $0xb8;
	[tilespmem:$0x18400] =	vst v63  }
0x2e: {  	v7 =	vld [tilespmem:$0x10];
	_ =	sdelay $0x4  }
0x2f: {  	v8 =	vshrl.u32 v7, $0x3  }
0x30: {  	v8 =	vmul.u32 $0x30, v8  }
0x31: {  	v7 =	vand.u32 $0x7, v7  }
0x32: {  	v7 =	vor.u32 v7, v8  }
0x33: {  	v8 =	vperm.xlane v7, v4;
	_ =	sdelay $0x1  }
0x34: {  	v8 =	vadd.s32 v5, v8;
	_ =	sdelay $0x3  }
0x35: {  	s18 =	simm.s32 $0x3400;
	v7 =	vperm.xlane v7, v6  }
0x36: {  	[tilespmem:s18], [sflag:$0x1] =	stream.indirect_vreg.gather [hbm4b:s1+s3], $0x80, v8, vm0, $0xb8;
	[tilespmem:$0x18400] =	vst v63  }
0x37: {  	s19 =	simm.s32 $0x3C00;
	v7 =	vadd.s32 v5, v7  }
0x38: {  	[tilespmem:s19], [sflag:$0x1] =	stream.indirect_vreg.gather [hbm4b:s5+s3], $0x80, v8, vm0, $0xb8;
	[tilespmem:$0x18400] =	vst v63  }
0x39: {  	s21 =	simm.s32 $0x4400  }
0x3a: {  	[tilespmem:s21], [sflag:$0x1] =	stream.indirect_vreg.gather [hbm4b:s6+s3], $0x80, v8, vm0, $0xb8;
	[tilespmem:$0x18400] =	vst v63  }
0x3b: {  	s22 =	simm.s32 $0x4C00  }
0x3c: {  	[tilespmem:s22], [sflag:$0x1] =	stream.indirect_vreg.gather [hbm4b:s1+s3], $0x80, v7, vm0, $0xb8;
	[tilespmem:$0x18400] =	vst v63  }
0x3d: {  	s23 =	simm.s32 $0x5400  }
0x3e: {  	[tilespmem:s23], [sflag:$0x1] =	stream.indirect_vreg.gather [hbm4b:s5+s3], $0x80, v7, vm0, $0xb8;
	[tilespmem:$0x18400] =	vst v63  }
0x3f: {  	s24 =	simm.s32 $0x5C00  }
0x40: {  	[tilespmem:s24], [sflag:$0x1] =	stream.indirect_vreg.gather [hbm4b:s6+s3], $0x80, v7, vm0, $0xb8;
	[tilespmem:$0x18400] =	vst v63  }
0x41: {  	v7 =	vld [tilespmem:$0x20];
	_ =	sdelay $0x4  }
0x42: {  	v8 =	vshrl.u32 v7, $0x3  }
0x43: {  	v8 =	vmul.u32 $0x30, v8  }
0x44: {  	v7 =	vand.u32 $0x7, v7  }
0x45: {  	v7 =	vor.u32 v7, v8  }
0x46: {  	v8 =	vperm.xlane v7, v4;
	_ =	sdelay $0x1  }
0x47: {  	v8 =	vadd.s32 v5, v8;
	_ =	sdelay $0x3  }
0x48: {  	s25 =	simm.s32 $0x6400;
	v7 =	vperm.xlane v7, v6  }
0x49: {  	[tilespmem:s25], [sflag:$0x1] =	stream.indirect_vreg.gather [hbm4b:s1+s3], $0x80, v8, vm0, $0xb8;
	[tilespmem:$0x18400] =	vst v63  }
0x4a: {  	s26 =	simm.s32 $0x6C00;
	v7 =	vadd.s32 v5, v7  }
0x4b: {  	[tilespmem:s26], [sflag:$0x1] =	stream.indirect_vreg.gather [hbm4b:s5+s3], $0x80, v8, vm0, $0xb8;
	[tilespmem:$0x18400] =	vst v63  }
0x4c: {  	s28 =	simm.s32 $0x7400  }
0x4d: {  	[tilespmem:s28], [sflag:$0x1] =	stream.indirect_vreg.gather [hbm4b:s6+s3], $0x80, v8, vm0, $0xb8;
	[tilespmem:$0x18400] =	vst v63  }
0x4e: {  	s29 =	simm.s32 $0x7C00  }
0x4f: {  	[tilespmem:s29], [sflag:$0x1] =	stream.indirect_vreg.gather [hbm4b:s1+s3], $0x80, v7, vm0, $0xb8;
	[tilespmem:$0x18400] =	vst v63  }
0x50: {  	s30 =	simm.s32 $0x8400  }
0x51: {  	[tilespmem:s30], [sflag:$0x1] =	stream.indirect_vreg.gather [hbm4b:s5+s3], $0x80, v7, vm0, $0xb8;
	[tilespmem:$0x18400] =	vst v63  }
0x52: {  	s31 =	simm.s32 $0x8C00  }
0x53: {  	[tilespmem:s31], [sflag:$0x1] =	stream.indirect_vreg.gather [hbm4b:s6+s3], $0x80, v7, vm0, $0xb8;
	[tilespmem:$0x18400] =	vst v63  }
0x54: {  	v7 =	vld [tilespmem:$0x30];
	_ =	sdelay $0x4  }
0x55: {  	v8 =	vshrl.u32 v7, $0x3  }
0x56: {  	v8 =	vmul.u32 $0x30, v8  }
0x57: {  	v7 =	vand.u32 $0x7, v7  }
0x58: {  	v7 =	vor.u32 v7, v8  }
0x59: {  	v8 =	vperm.xlane v7, v4;
	_ =	sdelay $0x1  }
0x5a: {  	v8 =	vadd.s32 v5, v8;
	_ =	sdelay $0x3  }
0x5b: {  	s9 =	simm.s32 $0x9400;
	v7 =	vperm.xlane v7, v6  }
0x5c: {  	[tilespmem:s9], [sflag:$0x1] =	stream.indirect_vreg.gather [hbm4b:s1+s3], $0x80, v8, vm0, $0xb8;
	[tilespmem:$0x18400] =	vst v63  }
0x5d: {  	s10 =	simm.s32 $0x9C00;
	v7 =	vadd.s32 v5, v7  }
0x5e: {  	[tilespmem:s10], [sflag:$0x1] =	stream.indirect_vreg.gather [hbm4b:s5+s3], $0x80, v8, vm0, $0xb8;
	[tilespmem:$0x18400] =	vst v63  }
0x5f: {  	s12 =	simm.s32 $0xA400  }
0x60: {  	[tilespmem:s12], [sflag:$0x1] =	stream.indirect_vreg.gather [hbm4b:s6+s3], $0x80, v8, vm0, $0xb8;
	[tilespmem:$0x18400] =	vst v63  }
0x61: {  	s14 =	simm.s32 $0xAC00  }
0x62: {  	[tilespmem:s14], [sflag:$0x1] =	stream.indirect_vreg.gather [hbm4b:s1+s3], $0x80, v7, vm0, $0xb8;
	[tilespmem:$0x18400] =	vst v63  }
0x63: {  	s15 =	simm.s32 $0xB400  }
0x64: {  	[tilespmem:s15], [sflag:$0x1] =	stream.indirect_vreg.gather [hbm4b:s5+s3], $0x80, v7, vm0, $0xb8;
	[tilespmem:$0x18400] =	vst v63  }
0x65: {  	s16 =	simm.s32 $0xBC00  }
0x66: {  	[tilespmem:s16], [sflag:$0x1] =	stream.indirect_vreg.gather [hbm4b:s6+s3], $0x80, v7, vm0, $0xb8;
	[tilespmem:$0x18400] =	vst v63  }
0x67: {  	v7 =	vld [tilespmem:$0x80];
	_ =	sdelay $0x4  }
0x68: {  	v7 =	vshll.u32 v7, $0x6  }
0x69: {  	v7 =	vor.u32 v0, v7  }
0x6a: {  	v8 =	vshrl.u32 v7, $0x3  }
0x6b: {  	v34 =	vld [tilespmem:$0x90];
	v8 =	vmul.u32 $0x30, v8  }
0x6c: {  	v35 =	vld [tilespmem:$0xA0]  }
0x6d: {  	v36 =	vld [tilespmem:$0xB0];
	v8 =	vor.u32 v4, v8  }
0x6e: {  	v37 =	vperm.xlane v8, v4;
	_ =	sdelay $0x1  }
0x6f: {  	v9 =	vshll.u32 v34, $0x6;
	v12 =	vadd.s32 v5, v37  }
0x70: {  	v38 =	vshll.u32 v35, $0x6;
	[tilespmem:$0x80] =	vst v7;
	v7 =	vor.u32 v1, v9  }
0x71: {  	v39 =	vshll.u32 v36, $0x6;
	[tilespmem:$0x90] =	vst v7;
	v7 =	vor.u32 v2, v38  }
0x72: {  	[tilespmem:$0xA0] =	vst v7;
	v7 =	vor.u32 v3, v39  }
0x73: {  	[tilespmem:$0xB0] =	vst v7;
	v7 =	vperm.xlane v8, v6  }
0x74: {  	[tilespmem:s4], [sflag:$0x1] =	stream.indirect_vreg.gather [hbm4b:s1+s3], $0x80, v12, vm0, $0xb8;
	[tilespmem:$0x18400] =	vst v63  }
0x75: {  	s17 =	simm.s32 $0xCC00;
	v7 =	vadd.s32 v5, v7  }
0x76: {  	[tilespmem:s17], [sflag:$0x1] =	stream.indirect_vreg.gather [hbm4b:s5+s3], $0x80, v12, vm0, $0xb8;
	[tilespmem:$0x18400] =	vst v63  }
0x77: {  	s18 =	simm.s32 $0xD400  }
0x78: {  	[tilespmem:s18], [sflag:$0x1] =	stream.indirect_vreg.gather [hbm4b:s6+s3], $0x80, v12, vm0, $0xb8;
	[tilespmem:$0x18400] =	vst v63  }
0x79: {  	s19 =	simm.s32 $0xDC00  }
0x7a: {  	[tilespmem:s19], [sflag:$0x1] =	stream.indirect_vreg.gather [hbm4b:s1+s3], $0x80, v7, vm0, $0xb8;
	[tilespmem:$0x18400] =	vst v63  }
0x7b: {  	s21 =	simm.s32 $0xE400  }
0x7c: {  	[tilespmem:s21], [sflag:$0x1] =	stream.indirect_vreg.gather [hbm4b:s5+s3], $0x80, v7, vm0, $0xb8;
	[tilespmem:$0x18400] =	vst v63  }
0x7d: {  	s22 =	simm.s32 $0xEC00  }
0x7e: {  	[tilespmem:s22], [sflag:$0x1] =	stream.indirect_vreg.gather [hbm4b:s6+s3], $0x80, v7, vm0, $0xb8;
	[tilespmem:$0x18400] =	vst v63  }
0x7f: {  	v7 =	vld [tilespmem:$0x90];
	_ =	sdelay $0x4  }
0x80: {  	v8 =	vshrl.u32 v7, $0x3  }
0x81: {  	v8 =	vmul.u32 $0x30, v8  }
0x82: {  	v7 =	vand.u32 $0x7, v7  }
0x83: {  	v7 =	vor.u32 v7, v8  }
0x84: {  	v8 =	vperm.xlane v7, v4;
	_ =	sdelay $0x1  }
0x85: {  	v8 =	vadd.s32 v5, v8;
	_ =	sdelay $0x3  }
0x86: {  	s23 =	simm.s32 $0xF400;
	v7 =	vperm.xlane v7, v6  }
0x87: {  	[tilespmem:s23], [sflag:$0x1] =	stream.indirect_vreg.gather [hbm4b:s1+s3], $0x80, v8, vm0, $0xb8;
	[tilespmem:$0x18400] =	vst v63  }
0x88: {  	s26 =	simm.s32 $0xFC00;
	v7 =	vadd.s32 v5, v7  }
0x89: {  	[tilespmem:s26], [sflag:$0x1] =	stream.indirect_vreg.gather [hbm4b:s5+s3], $0x80, v8, vm0, $0xb8;
	[tilespmem:$0x18400] =	vst v63  }
0x8a: {  	s28 =	simm.s32 $0x10400  }
0x8b: {  	[tilespmem:s28], [sflag:$0x1] =	stream.indirect_vreg.gather [hbm4b:s6+s3], $0x80, v8, vm0, $0xb8;
	[tilespmem:$0x18400] =	vst v63  }
0x8c: {  	s31 =	simm.s32 $0x10C00  }
0x8d: {  	[tilespmem:s31], [sflag:$0x1] =	stream.indirect_vreg.gather [hbm4b:s1+s3], $0x80, v7, vm0, $0xb8;
	[tilespmem:$0x18400] =	vst v63  }
0x8e: {  	s2 =	simm.s32 $0x11400  }
0x8f: {  	[tilespmem:s2], [sflag:$0x1] =	stream.indirect_vreg.gather [hbm4b:s5+s3], $0x80, v7, vm0, $0xb8;
	[tilespmem:$0x18400] =	vst v63  }
0x90: {  	s9 =	simm.s32 $0x11C00  }
0x91: {  	[tilespmem:s9], [sflag:$0x1] =	stream.indirect_vreg.gather [hbm4b:s6+s3], $0x80, v7, vm0, $0xb8;
	[tilespmem:$0x18400] =	vst v63  }
0x92: {  	v7 =	vld [tilespmem:$0xA0];
	_ =	sdelay $0x4  }
0x93: {  	v8 =	vshrl.u32 v7, $0x3  }
0x94: {  	v8 =	vmul.u32 $0x30, v8  }
0x95: {  	v7 =	vand.u32 $0x7, v7  }
0x96: {  	v7 =	vor.u32 v7, v8  }
0x97: {  	v8 =	vperm.xlane v7, v4;
	_ =	sdelay $0x1  }
0x98: {  	v8 =	vadd.s32 v5, v8;
	_ =	sdelay $0x3  }
0x99: {  	s14 =	simm.s32 $0x12400;
	v7 =	vperm.xlane v7, v6  }
0x9a: {  	[tilespmem:s14], [sflag:$0x1] =	stream.indirect_vreg.gather [hbm4b:s1+s3], $0x80, v8, vm0, $0xb8;
	[tilespmem:$0x18400] =	vst v63  }
0x9b: {  	s15 =	simm.s32 $0x12C00;
	v7 =	vadd.s32 v5, v7  }
0x9c: {  	[tilespmem:s15], [sflag:$0x1] =	stream.indirect_vreg.gather [hbm4b:s5+s3], $0x80, v8, vm0, $0xb8;
	[tilespmem:$0x18400] =	vst v63  }
0x9d: {  	s16 =	simm.s32 $0x13400  }
0x9e: {  	[tilespmem:s16], [sflag:$0x1] =	stream.indirect_vreg.gather [hbm4b:s6+s3], $0x80, v8, vm0, $0xb8;
	[tilespmem:$0x18400] =	vst v63  }
0x9f: {  	s18 =	simm.s32 $0x13C00  }
0xa0: {  	[tilespmem:s18], [sflag:$0x1] =	stream.indirect_vreg.gather [hbm4b:s1+s3], $0x80, v7, vm0, $0xb8;
	[tilespmem:$0x18400] =	vst v63  }
0xa1: {  	s19 =	simm.s32 $0x14400  }
0xa2: {  	[tilespmem:s19], [sflag:$0x1] =	stream.indirect_vreg.gather [hbm4b:s5+s3], $0x80, v7, vm0, $0xb8;
	[tilespmem:$0x18400] =	vst v63  }
0xa3: {  	s21 =	simm.s32 $0x14C00  }
0xa4: {  	[tilespmem:s21], [sflag:$0x1] =	stream.indirect_vreg.gather [hbm4b:s6+s3], $0x80, v7, vm0, $0xb8;
	[tilespmem:$0x18400] =	vst v63  }
0xa5: {  	v7 =	vld [tilespmem:$0xB0];
	_ =	sdelay $0x4  }
0xa6: {  	v8 =	vshrl.u32 v7, $0x3  }
0xa7: {  	v8 =	vmul.u32 $0x30, v8  }
0xa8: {  	v7 =	vand.u32 $0x7, v7  }
0xa9: {  	v7 =	vor.u32 v7, v8  }
0xaa: {  	v8 =	vperm.xlane v7, v4;
	_ =	sdelay $0x1  }
0xab: {  	v8 =	vadd.s32 v5, v8;
	_ =	sdelay $0x3  }
0xac: {  	s22 =	simm.s32 $0x15400;
	v7 =	vperm.xlane v7, v6  }
0xad: {  	[tilespmem:s22], [sflag:$0x1] =	stream.indirect_vreg.gather [hbm4b:s1+s3], $0x80, v8, vm0, $0xb8;
	[tilespmem:$0x18400] =	vst v63  }
0xae: {  	s23 =	simm.s32 $0x15C00;
	v7 =	vadd.s32 v5, v7  }
0xaf: {  	[tilespmem:s23], [sflag:$0x1] =	stream.indirect_vreg.gather [hbm4b:s5+s3], $0x80, v8, vm0, $0xb8;
	[tilespmem:$0x18400] =	vst v63  }
0xb0: {  	s26 =	simm.s32 $0x16400  }
0xb1: {  	[tilespmem:s26], [sflag:$0x1] =	stream.indirect_vreg.gather [hbm4b:s6+s3], $0x80, v8, vm0, $0xb8;
	[tilespmem:$0x18400] =	vst v63  }
0xb2: {  	s28 =	simm.s32 $0x16C00  }
0xb3: {  	[tilespmem:s28], [sflag:$0x1] =	stream.indirect_vreg.gather [hbm4b:s1+s3], $0x80, v7, vm0, $0xb8;
	[tilespmem:$0x18400] =	vst v63  }
0xb4: {  	s31 =	simm.s32 $0x17400  }
0xb5: {  	[tilespmem:s31], [sflag:$0x1] =	stream.indirect_vreg.gather [hbm4b:s5+s3], $0x80, v7, vm0, $0xb8;
	[tilespmem:$0x18400] =	vst v63  }
0xb6: {  	s2 =	simm.s32 $0x17C00  }
0xb7: {  	[tilespmem:s2], [sflag:$0x1] =	stream.indirect_vreg.gather [hbm4b:s6+s3], $0x80, v7, vm0, $0xb8;
	[tilespmem:$0x18400] =	vst v63  }
0xb8: {  	_ =	swait.ge [sflag:s0], $0xC000  }
0xb9: {  	[sflag:s0] =	ssyncset.done $0x0  }
0xba: {  	s9 =	rddreg [dreg:$0xc];
	[sflag:s0] =	ssyncadd.s32 $0xFFFF4000  }
0xbb: {  	[hbm4b:s9+s3] =	stream.linear.scatter [tilespmem:s13], [sflag:$0x2], $0xC000, $0x38;
	[tilespmem:$0x18400] =	vst v63  }
0xbc: {  	v7 =	vld [tilespmem:$0x100];
	_ =	sdelay $0x4  }
0xbd: {  	v8 =	vld [tilespmem:$0x110];
	v7 =	vshll.u32 v7, $0x6  }
0xbe: {  	v40 =	vld [tilespmem:$0x120];
	v7 =	vor.u32 v0, v7  }
0xbf: {  	v41 =	vld [tilespmem:$0x130];
	v42 =	vshrl.u32 v7, $0x3  }
0xc0: {  	v11 =	vmul.u32 $0x30, v42;
	_ =	sdelay $0x1  }
0xc1: {  	v8 =	vshll.u32 v8, $0x6;
	v11 =	vor.u32 v4, v11  }
0xc2: {  	[tilespmem:$0x100] =	vst v7;
	v7 =	vor.u32 v1, v8;
	v8 =	vshll.u32 v40, $0x6;
	v43 =	vperm.xlane v11, v4  }
0xc3: {  	[tilespmem:$0x110] =	vst v7;
	v7 =	vor.u32 v2, v8;
	v8 =	vshll.u32 v41, $0x6  }
0xc4: {  	[tilespmem:$0x120] =	vst v7;
	v7 =	vor.u32 v3, v8;
	v8 =	vadd.s32 v5, v43  }
0xc5: {  	[tilespmem:$0x130] =	vst v7  }
0xc6: {  	_ =	swait.ge [sflag:s8], $0xC000  }
0xc7: {  	[sflag:s8] =	ssyncset.done $0x0  }
0xc8: {  	v7 =	vperm.xlane v11, v6;
	[sflag:s8] =	ssyncadd.s32 $0xFFFF4000  }
0xc9: {  	[tilespmem:s13], [sflag:$0x1] =	stream.indirect_vreg.gather [hbm4b:s1+s3], $0x80, v8, vm0, $0xb8;
	[tilespmem:$0x18400] =	vst v63  }
0xca: {  	s2 =	simm.s32 $0xC00;
	v7 =	vadd.s32 v5, v7  }
0xcb: {  	[tilespmem:s2], [sflag:$0x1] =	stream.indirect_vreg.gather [hbm4b:s5+s3], $0x80, v8, vm0, $0xb8;
	[tilespmem:$0x18400] =	vst v63  }
0xcc: {  	s9 =	simm.s32 $0x1400  }
0xcd: {  	[tilespmem:s9], [sflag:$0x1] =	stream.indirect_vreg.gather [hbm4b:s6+s3], $0x80, v8, vm0, $0xb8;
	[tilespmem:$0x18400] =	vst v63  }
0xce: {  	s18 =	simm.s32 $0x1C00  }
0xcf: {  	[tilespmem:s18], [sflag:$0x1] =	stream.indirect_vreg.gather [hbm4b:s1+s3], $0x80, v7, vm0, $0xb8;
	[tilespmem:$0x18400] =	vst v63  }
0xd0: {  	s19 =	simm.s32 $0x2400  }
0xd1: {  	[tilespmem:s19], [sflag:$0x1] =	stream.indirect_vreg.gather [hbm4b:s5+s3], $0x80, v7, vm0, $0xb8;
	[tilespmem:$0x18400] =	vst v63  }
0xd2: {  	s11 =	simm.s32 $0x2C00  }
0xd3: {  	[tilespmem:s11], [sflag:$0x1] =	stream.indirect_vreg.gather [hbm4b:s6+s3], $0x80, v7, vm0, $0xb8;
	[tilespmem:$0x18400] =	vst v63  }
0xd4: {  	v7 =	vld [tilespmem:$0x110];
	_ =	sdelay $0x4  }
0xd5: {  	v8 =	vshrl.u32 v7, $0x3  }
0xd6: {  	v8 =	vmul.u32 $0x30, v8  }
0xd7: {  	v7 =	vand.u32 $0x7, v7  }
0xd8: {  	v7 =	vor.u32 v7, v8  }
0xd9: {  	v8 =	vperm.xlane v7, v4;
	_ =	sdelay $0x1  }
0xda: {  	v8 =	vadd.s32 v5, v8;
	_ =	sdelay $0x3  }
0xdb: {  	s20 =	simm.s32 $0x3400;
	v7 =	vperm.xlane v7, v6  }
0xdc: {  	[tilespmem:s20], [sflag:$0x1] =	stream.indirect_vreg.gather [hbm4b:s1+s3], $0x80, v8, vm0, $0xb8;
	[tilespmem:$0x18400] =	vst v63  }
0xdd: {  	v7 =	vadd.s32 v5, v7;
	s20 =	simm.s32 $0x3C00  }
0xde: {  	[tilespmem:s20], [sflag:$0x1] =	stream.indirect_vreg.gather [hbm4b:s5+s3], $0x80, v8, vm0, $0xb8;
	[tilespmem:$0x18400] =	vst v63  }
0xdf: {  	s21 =	simm.s32 $0x4400  }
0xe0: {  	[tilespmem:s21], [sflag:$0x1] =	stream.indirect_vreg.gather [hbm4b:s6+s3], $0x80, v8, vm0, $0xb8;
	[tilespmem:$0x18400] =	vst v63  }
0xe1: {  	s22 =	simm.s32 $0x4C00  }
0xe2: {  	[tilespmem:s22], [sflag:$0x1] =	stream.indirect_vreg.gather [hbm4b:s1+s3], $0x80, v7, vm0, $0xb8;
	[tilespmem:$0x18400] =	vst v63  }
0xe3: {  	s23 =	simm.s32 $0x5400  }
0xe4: {  	[tilespmem:s23], [sflag:$0x1] =	stream.indirect_vreg.gather [hbm4b:s5+s3], $0x80, v7, vm0, $0xb8;
	[tilespmem:$0x18400] =	vst v63  }
0xe5: {  	s24 =	simm.s32 $0x5C00  }
0xe6: {  	[tilespmem:s24], [sflag:$0x1] =	stream.indirect_vreg.gather [hbm4b:s6+s3], $0x80, v7, vm0, $0xb8;
	[tilespmem:$0x18400] =	vst v63  }
0xe7: {  	v7 =	vld [tilespmem:$0x120];
	_ =	sdelay $0x4  }
0xe8: {  	v8 =	vshrl.u32 v7, $0x3  }
0xe9: {  	v8 =	vmul.u32 $0x30, v8  }
0xea: {  	v7 =	vand.u32 $0x7, v7  }
0xeb: {  	v7 =	vor.u32 v7, v8  }
0xec: {  	v8 =	vperm.xlane v7, v4;
	_ =	sdelay $0x1  }
0xed: {  	v8 =	vadd.s32 v5, v8;
	_ =	sdelay $0x3  }
0xee: {  	s25 =	simm.s32 $0x6400;
	v7 =	vperm.xlane v7, v6  }
0xef: {  	[tilespmem:s25], [sflag:$0x1] =	stream.indirect_vreg.gather [hbm4b:s1+s3], $0x80, v8, vm0, $0xb8;
	[tilespmem:$0x18400] =	vst v63  }
0xf0: {  	s24 =	simm.s32 $0x6C00;
	v7 =	vadd.s32 v5, v7  }
0xf1: {  	[tilespmem:s24], [sflag:$0x1] =	stream.indirect_vreg.gather [hbm4b:s5+s3], $0x80, v8, vm0, $0xb8;
	[tilespmem:$0x18400] =	vst v63  }
0xf2: {  	s25 =	simm.s32 $0x7400  }
0xf3: {  	[tilespmem:s25], [sflag:$0x1] =	stream.indirect_vreg.gather [hbm4b:s6+s3], $0x80, v8, vm0, $0xb8;
	[tilespmem:$0x18400] =	vst v63  }
0xf4: {  	s26 =	simm.s32 $0x7C00  }
0xf5: {  	[tilespmem:s26], [sflag:$0x1] =	stream.indirect_vreg.gather [hbm4b:s1+s3], $0x80, v7, vm0, $0xb8;
	[tilespmem:$0x18400] =	vst v63  }
0xf6: {  	s28 =	simm.s32 $0x8400  }
0xf7: {  	[tilespmem:s28], [sflag:$0x1] =	stream.indirect_vreg.gather [hbm4b:s5+s3], $0x80, v7, vm0, $0xb8;
	[tilespmem:$0x18400] =	vst v63  }
0xf8: {  	s29 =	simm.s32 $0x8C00  }
0xf9: {  	[tilespmem:s29], [sflag:$0x1] =	stream.indirect_vreg.gather [hbm4b:s6+s3], $0x80, v7, vm0, $0xb8;
	[tilespmem:$0x18400] =	vst v63  }
0xfa: {  	v7 =	vld [tilespmem:$0x130];
	_ =	sdelay $0x4  }
0xfb: {  	v8 =	vshrl.u32 v7, $0x3  }
0xfc: {  	v8 =	vmul.u32 $0x30, v8  }
0xfd: {  	v7 =	vand.u32 $0x7, v7  }
0xfe: {  	v7 =	vor.u32 v7, v8  }
0xff: {  	v8 =	vperm.xlane v7, v4;
	_ =	sdelay $0x1  }
0x100: {  	v8 =	vadd.s32 v5, v8;
	_ =	sdelay $0x3  }
0x101: {  	s30 =	simm.s32 $0x9400;
	v7 =	vperm.xlane v7, v6  }
0x102: {  	[tilespmem:s30], [sflag:$0x1] =	stream.indirect_vreg.gather [hbm4b:s1+s3], $0x80, v8, vm0, $0xb8;
	[tilespmem:$0x18400] =	vst v63  }
0x103: {  	s29 =	simm.s32 $0x9C00;
	v7 =	vadd.s32 v5, v7  }
0x104: {  	[tilespmem:s29], [sflag:$0x1] =	stream.indirect_vreg.gather [hbm4b:s5+s3], $0x80, v8, vm0, $0xb8;
	[tilespmem:$0x18400] =	vst v63  }
0x105: {  	s30 =	simm.s32 $0xA400  }
0x106: {  	[tilespmem:s30], [sflag:$0x1] =	stream.indirect_vreg.gather [hbm4b:s6+s3], $0x80, v8, vm0, $0xb8;
	[tilespmem:$0x18400] =	vst v63  }
0x107: {  	s31 =	simm.s32 $0xAC00  }
0x108: {  	[tilespmem:s31], [sflag:$0x1] =	stream.indirect_vreg.gather [hbm4b:s1+s3], $0x80, v7, vm0, $0xb8;
	[tilespmem:$0x18400] =	vst v63  }
0x109: {  	s11 =	simm.s32 $0xB400  }
0x10a: {  	[tilespmem:s11], [sflag:$0x1] =	stream.indirect_vreg.gather [hbm4b:s5+s3], $0x80, v7, vm0, $0xb8;
	[tilespmem:$0x18400] =	vst v63  }
0x10b: {  	s12 =	simm.s32 $0xBC00  }
0x10c: {  	[tilespmem:s12], [sflag:$0x1] =	stream.indirect_vreg.gather [hbm4b:s6+s3], $0x80, v7, vm0, $0xb8;
	[tilespmem:$0x18400] =	vst v63  }
0x10d: {  	_ =	swait.ge [sflag:s0], $0xC000  }
0x10e: {  	[sflag:s0] =	ssyncset.done $0x0  }
0x10f: {  	s12 =	rddreg [dreg:$0x5];
	[sflag:s0] =	ssyncadd.s32 $0xFFFF4000  }
0x110: {  	[hbm4b:s12+s3] =	stream.linear.scatter [tilespmem:s4], [sflag:$0x2], $0xC000, $0x38;
	[tilespmem:$0x18400] =	vst v63  }
0x111: {  	v7 =	vld [tilespmem:$0x180];
	_ =	sdelay $0x4  }
0x112: {  	v8 =	vld [tilespmem:$0x190];
	v7 =	vshll.u32 v7, $0x6  }
0x113: {  	v44 =	vld [tilespmem:$0x1A0];
	v7 =	vor.u32 v0, v7  }
0x114: {  	v45 =	vld [tilespmem:$0x1B0];
	v46 =	vshrl.u32 v7, $0x3  }
0x115: {  	v11 =	vmul.u32 $0x30, v46;
	_ =	sdelay $0x1  }
0x116: {  	v8 =	vshll.u32 v8, $0x6;
	v11 =	vor.u32 v4, v11  }
0x117: {  	[tilespmem:$0x180] =	vst v7;
	v7 =	vor.u32 v1, v8;
	v8 =	vshll.u32 v44, $0x6;
	v47 =	vperm.xlane v11, v4  }
0x118: {  	[tilespmem:$0x190] =	vst v7;
	v7 =	vor.u32 v2, v8;
	v8 =	vshll.u32 v45, $0x6  }
0x119: {  	[tilespmem:$0x1A0] =	vst v7;
	v7 =	vor.u32 v3, v8;
	v8 =	vadd.s32 v5, v47  }
0x11a: {  	[tilespmem:$0x1B0] =	vst v7  }
0x11b: {  	_ =	swait.ge [sflag:s8], $0xC000  }
0x11c: {  	[sflag:s8] =	ssyncset.done $0x0  }
0x11d: {  	v7 =	vperm.xlane v11, v6;
	[sflag:s8] =	ssyncadd.s32 $0xFFFF4000  }
0x11e: {  	[tilespmem:s4], [sflag:$0x1] =	stream.indirect_vreg.gather [hbm4b:s1+s3], $0x80, v8, vm0, $0xb8;
	[tilespmem:$0x18400] =	vst v63  }
0x11f: {  	s12 =	simm.s32 $0xCC00;
	v7 =	vadd.s32 v5, v7  }
0x120: {  	[tilespmem:s12], [sflag:$0x1] =	stream.indirect_vreg.gather [hbm4b:s5+s3], $0x80, v8, vm0, $0xb8;
	[tilespmem:$0x18400] =	vst v63  }
0x121: {  	s10 =	simm.s32 $0xD400  }
0x122: {  	[tilespmem:s10], [sflag:$0x1] =	stream.indirect_vreg.gather [hbm4b:s6+s3], $0x80, v8, vm0, $0xb8;
	[tilespmem:$0x18400] =	vst v63  }
0x123: {  	s10 =	simm.s32 $0xDC00  }
0x124: {  	[tilespmem:s10], [sflag:$0x1] =	stream.indirect_vreg.gather [hbm4b:s1+s3], $0x80, v7, vm0, $0xb8;
	[tilespmem:$0x18400] =	vst v63  }
0x125: {  	s10 =	simm.s32 $0xE400  }
0x126: {  	[tilespmem:s10], [sflag:$0x1] =	stream.indirect_vreg.gather [hbm4b:s5+s3], $0x80, v7, vm0, $0xb8;
	[tilespmem:$0x18400] =	vst v63  }
0x127: {  	s17 =	simm.s32 $0xEC00  }
0x128: {  	[tilespmem:s17], [sflag:$0x1] =	stream.indirect_vreg.gather [hbm4b:s6+s3], $0x80, v7, vm0, $0xb8;
	[tilespmem:$0x18400] =	vst v63  }
0x129: {  	v7 =	vld [tilespmem:$0x190];
	_ =	sdelay $0x4  }
0x12a: {  	v8 =	vshrl.u32 v7, $0x3  }
0x12b: {  	v8 =	vmul.u32 $0x30, v8  }
0x12c: {  	v7 =	vand.u32 $0x7, v7  }
0x12d: {  	v7 =	vor.u32 v7, v8  }
0x12e: {  	v8 =	vperm.xlane v7, v4;
	_ =	sdelay $0x1  }
0x12f: {  	v8 =	vadd.s32 v5, v8;
	_ =	sdelay $0x3  }
0x130: {  	s17 =	simm.s32 $0xF400;
	v7 =	vperm.xlane v7, v6  }
0x131: {  	[tilespmem:s17], [sflag:$0x1] =	stream.indirect_vreg.gather [hbm4b:s1+s3], $0x80, v8, vm0, $0xb8;
	[tilespmem:$0x18400] =	vst v63  }
0x132: {  	v7 =	vadd.s32 v5, v7;
	s17 =	simm.s32 $0xFC00  }
0x133: {  	[tilespmem:s17], [sflag:$0x1] =	stream.indirect_vreg.gather [hbm4b:s5+s3], $0x80, v8, vm0, $0xb8;
	[tilespmem:$0x18400] =	vst v63  }
0x134: {  	s10 =	simm.s32 $0x10400  }
0x135: {  	[tilespmem:s10], [sflag:$0x1] =	stream.indirect_vreg.gather [hbm4b:s6+s3], $0x80, v8, vm0, $0xb8;
	[tilespmem:$0x18400] =	vst v63  }
0x136: {  	s10 =	simm.s32 $0x10C00  }
0x137: {  	[tilespmem:s10], [sflag:$0x1] =	stream.indirect_vreg.gather [hbm4b:s1+s3], $0x80, v7, vm0, $0xb8;
	[tilespmem:$0x18400] =	vst v63  }
0x138: {  	s10 =	simm.s32 $0x11400  }
0x139: {  	[tilespmem:s10], [sflag:$0x1] =	stream.indirect_vreg.gather [hbm4b:s5+s3], $0x80, v7, vm0, $0xb8;
	[tilespmem:$0x18400] =	vst v63  }
0x13a: {  	s10 =	simm.s32 $0x11C00  }
0x13b: {  	[tilespmem:s10], [sflag:$0x1] =	stream.indirect_vreg.gather [hbm4b:s6+s3], $0x80, v7, vm0, $0xb8;
	[tilespmem:$0x18400] =	vst v63  }
0x13c: {  	v7 =	vld [tilespmem:$0x1A0];
	_ =	sdelay $0x4  }
0x13d: {  	v8 =	vshrl.u32 v7, $0x3  }
0x13e: {  	v8 =	vmul.u32 $0x30, v8  }
0x13f: {  	v7 =	vand.u32 $0x7, v7  }
0x140: {  	v7 =	vor.u32 v7, v8  }
0x141: {  	v8 =	vperm.xlane v7, v4;
	_ =	sdelay $0x1  }
0x142: {  	v8 =	vadd.s32 v5, v8;
	_ =	sdelay $0x3  }
0x143: {  	s10 =	simm.s32 $0x12400;
	v7 =	vperm.xlane v7, v6  }
0x144: {  	[tilespmem:s10], [sflag:$0x1] =	stream.indirect_vreg.gather [hbm4b:s1+s3], $0x80, v8, vm0, $0xb8;
	[tilespmem:$0x18400] =	vst v63  }
0x145: {  	v7 =	vadd.s32 v5, v7;
	s10 =	simm.s32 $0x12C00  }
0x146: {  	[tilespmem:s10], [sflag:$0x1] =	stream.indirect_vreg.gather [hbm4b:s5+s3], $0x80, v8, vm0, $0xb8;
	[tilespmem:$0x18400] =	vst v63  }
0x147: {  	s10 =	simm.s32 $0x13400  }
0x148: {  	[tilespmem:s10], [sflag:$0x1] =	stream.indirect_vreg.gather [hbm4b:s6+s3], $0x80, v8, vm0, $0xb8;
	[tilespmem:$0x18400] =	vst v63  }
0x149: {  	s10 =	simm.s32 $0x13C00  }
0x14a: {  	[tilespmem:s10], [sflag:$0x1] =	stream.indirect_vreg.gather [hbm4b:s1+s3], $0x80, v7, vm0, $0xb8;
	[tilespmem:$0x18400] =	vst v63  }
0x14b: {  	s10 =	simm.s32 $0x14400  }
0x14c: {  	[tilespmem:s10], [sflag:$0x1] =	stream.indirect_vreg.gather [hbm4b:s5+s3], $0x80, v7, vm0, $0xb8;
	[tilespmem:$0x18400] =	vst v63  }
0x14d: {  	s14 =	simm.s32 $0x14C00  }
0x14e: {  	[tilespmem:s14], [sflag:$0x1] =	stream.indirect_vreg.gather [hbm4b:s6+s3], $0x80, v7, vm0, $0xb8;
	[tilespmem:$0x18400] =	vst v63  }
0x14f: {  	v7 =	vld [tilespmem:$0x1B0];
	_ =	sdelay $0x4  }
0x150: {  	v8 =	vshrl.u32 v7, $0x3  }
0x151: {  	v8 =	vmul.u32 $0x30, v8  }
0x152: {  	v7 =	vand.u32 $0x7, v7  }
0x153: {  	v7 =	vor.u32 v7, v8  }
0x154: {  	v8 =	vperm.xlane v7, v4;
	_ =	sdelay $0x1  }
0x155: {  	v8 =	vadd.s32 v5, v8;
	_ =	sdelay $0x3  }
0x156: {  	s15 =	simm.s32 $0x15400;
	v7 =	vperm.xlane v7, v6  }
0x157: {  	[tilespmem:s15], [sflag:$0x1] =	stream.indirect_vreg.gather [hbm4b:s1+s3], $0x80, v8, vm0, $0xb8;
	[tilespmem:$0x18400] =	vst v63  }
0x158: {  	s14 =	simm.s32 $0x15C00;
	v7 =	vadd.s32 v5, v7  }
0x159: {  	[tilespmem:s14], [sflag:$0x1] =	stream.indirect_vreg.gather [hbm4b:s5+s3], $0x80, v8, vm0, $0xb8;
	[tilespmem:$0x18400] =	vst v63  }
0x15a: {  	s15 =	simm.s32 $0x16400  }
0x15b: {  	[tilespmem:s15], [sflag:$0x1] =	stream.indirect_vreg.gather [hbm4b:s6+s3], $0x80, v8, vm0, $0xb8;
	[tilespmem:$0x18400] =	vst v63  }
0x15c: {  	s14 =	simm.s32 $0x16C00  }
0x15d: {  	[tilespmem:s14], [sflag:$0x1] =	stream.indirect_vreg.gather [hbm4b:s1+s3], $0x80, v7, vm0, $0xb8;
	[tilespmem:$0x18400] =	vst v63  }
0x15e: {  	s15 =	simm.s32 $0x17400  }
0x15f: {  	[tilespmem:s15], [sflag:$0x1] =	stream.indirect_vreg.gather [hbm4b:s5+s3], $0x80, v7, vm0, $0xb8;
	[tilespmem:$0x18400] =	vst v63  }
0x160: {  	s16 =	simm.s32 $0x17C00  }
0x161: {  	[tilespmem:s16], [sflag:$0x1] =	stream.indirect_vreg.gather [hbm4b:s6+s3], $0x80, v7, vm0, $0xb8;
	[tilespmem:$0x18400] =	vst v63  }
0x162: {  	_ =	swait.ge [sflag:s0], $0xC000  }
0x163: {  	[sflag:s0] =	ssyncset.done $0x0  }
0x164: {  	s16 =	rddreg [dreg:$0x6];
	[sflag:s0] =	ssyncadd.s32 $0xFFFF4000  }
0x165: {  	[hbm4b:s16+s3] =	stream.linear.scatter [tilespmem:s13], [sflag:$0x2], $0xC000, $0x38;
	[tilespmem:$0x18400] =	vst v63  }
0x166: {  	v7 =	vld [tilespmem:$0x200];
	_ =	sdelay $0x4  }
0x167: {  	v8 =	vld [tilespmem:$0x210];
	v7 =	vshll.u32 v7, $0x6  }
0x168: {  	v48 =	vld [tilespmem:$0x220];
	v7 =	vor.u32 v0, v7  }
0x169: {  	v49 =	vld [tilespmem:$0x230];
	v50 =	vshrl.u32 v7, $0x3  }
0x16a: {  	v11 =	vmul.u32 $0x30, v50;
	_ =	sdelay $0x1  }
0x16b: {  	v8 =	vshll.u32 v8, $0x6;
	v11 =	vor.u32 v4, v11  }
0x16c: {  	[tilespmem:$0x200] =	vst v7;
	v7 =	vor.u32 v1, v8;
	v8 =	vshll.u32 v48, $0x6;
	v51 =	vperm.xlane v11, v4  }
0x16d: {  	[tilespmem:$0x210] =	vst v7;
	v7 =	vor.u32 v2, v8;
	v8 =	vshll.u32 v49, $0x6  }
0x16e: {  	[tilespmem:$0x220] =	vst v7;
	v7 =	vor.u32 v3, v8;
	v8 =	vadd.s32 v5, v51  }
0x16f: {  	[tilespmem:$0x230] =	vst v7  }
0x170: {  	_ =	swait.ge [sflag:s8], $0xC000  }
0x171: {  	[sflag:s8] =	ssyncset.done $0x0  }
0x172: {  	v7 =	vperm.xlane v11, v6;
	[sflag:s8] =	ssyncadd.s32 $0xFFFF4000  }
0x173: {  	[tilespmem:s13], [sflag:$0x1] =	stream.indirect_vreg.gather [hbm4b:s1+s3], $0x80, v8, vm0, $0xb8;
	[tilespmem:$0x18400] =	vst v63  }
0x174: {  	v7 =	vadd.s32 v5, v7  }
0x175: {  	[tilespmem:s2], [sflag:$0x1] =	stream.indirect_vreg.gather [hbm4b:s5+s3], $0x80, v8, vm0, $0xb8;
	[tilespmem:$0x18400] =	vst v63  }
0x176: {  	_ = 	snop  }
0x177: {  	[tilespmem:s9], [sflag:$0x1] =	stream.indirect_vreg.gather [hbm4b:s6+s3], $0x80, v8, vm0, $0xb8;
	[tilespmem:$0x18400] =	vst v63  }
0x178: {  	_ = 	snop  }
0x179: {  	[tilespmem:s18], [sflag:$0x1] =	stream.indirect_vreg.gather [hbm4b:s1+s3], $0x80, v7, vm0, $0xb8;
	[tilespmem:$0x18400] =	vst v63  }
0x17a: {  	_ = 	snop  }
0x17b: {  	[tilespmem:s19], [sflag:$0x1] =	stream.indirect_vreg.gather [hbm4b:s5+s3], $0x80, v7, vm0, $0xb8;
	[tilespmem:$0x18400] =	vst v63  }
0x17c: {  	s19 =	simm.s32 $0x2C00  }
0x17d: {  	[tilespmem:s19], [sflag:$0x1] =	stream.indirect_vreg.gather [hbm4b:s6+s3], $0x80, v7, vm0, $0xb8;
	[tilespmem:$0x18400] =	vst v63  }
0x17e: {  	v7 =	vld [tilespmem:$0x210];
	_ =	sdelay $0x4  }
0x17f: {  	v8 =	vshrl.u32 v7, $0x3  }
0x180: {  	v8 =	vmul.u32 $0x30, v8  }
0x181: {  	v7 =	vand.u32 $0x7, v7  }
0x182: {  	v7 =	vor.u32 v7, v8  }
0x183: {  	v8 =	vperm.xlane v7, v4;
	_ =	sdelay $0x1  }
0x184: {  	v8 =	vadd.s32 v5, v8;
	_ =	sdelay $0x3  }
0x185: {  	s14 =	simm.s32 $0x3400;
	v7 =	vperm.xlane v7, v6  }
0x186: {  	[tilespmem:s14], [sflag:$0x1] =	stream.indirect_vreg.gather [hbm4b:s1+s3], $0x80, v8, vm0, $0xb8;
	[tilespmem:$0x18400] =	vst v63  }
0x187: {  	v7 =	vadd.s32 v5, v7  }
0x188: {  	[tilespmem:s20], [sflag:$0x1] =	stream.indirect_vreg.gather [hbm4b:s5+s3], $0x80, v8, vm0, $0xb8;
	[tilespmem:$0x18400] =	vst v63  }
0x189: {  	_ = 	snop  }
0x18a: {  	[tilespmem:s21], [sflag:$0x1] =	stream.indirect_vreg.gather [hbm4b:s6+s3], $0x80, v8, vm0, $0xb8;
	[tilespmem:$0x18400] =	vst v63  }
0x18b: {  	_ = 	snop  }
0x18c: {  	[tilespmem:s22], [sflag:$0x1] =	stream.indirect_vreg.gather [hbm4b:s1+s3], $0x80, v7, vm0, $0xb8;
	[tilespmem:$0x18400] =	vst v63  }
0x18d: {  	_ = 	snop  }
0x18e: {  	[tilespmem:s23], [sflag:$0x1] =	stream.indirect_vreg.gather [hbm4b:s5+s3], $0x80, v7, vm0, $0xb8;
	[tilespmem:$0x18400] =	vst v63  }
0x18f: {  	s15 =	simm.s32 $0x5C00  }
0x190: {  	[tilespmem:s15], [sflag:$0x1] =	stream.indirect_vreg.gather [hbm4b:s6+s3], $0x80, v7, vm0, $0xb8;
	[tilespmem:$0x18400] =	vst v63  }
0x191: {  	v7 =	vld [tilespmem:$0x220];
	_ =	sdelay $0x4  }
0x192: {  	v8 =	vshrl.u32 v7, $0x3  }
0x193: {  	v8 =	vmul.u32 $0x30, v8  }
0x194: {  	v7 =	vand.u32 $0x7, v7  }
0x195: {  	v7 =	vor.u32 v7, v8  }
0x196: {  	v8 =	vperm.xlane v7, v4;
	_ =	sdelay $0x1  }
0x197: {  	v8 =	vadd.s32 v5, v8;
	_ =	sdelay $0x3  }
0x198: {  	s23 =	simm.s32 $0x6400;
	v7 =	vperm.xlane v7, v6  }
0x199: {  	[tilespmem:s23], [sflag:$0x1] =	stream.indirect_vreg.gather [hbm4b:s1+s3], $0x80, v8, vm0, $0xb8;
	[tilespmem:$0x18400] =	vst v63  }
0x19a: {  	v7 =	vadd.s32 v5, v7  }
0x19b: {  	[tilespmem:s24], [sflag:$0x1] =	stream.indirect_vreg.gather [hbm4b:s5+s3], $0x80, v8, vm0, $0xb8;
	[tilespmem:$0x18400] =	vst v63  }
0x19c: {  	_ = 	snop  }
0x19d: {  	[tilespmem:s25], [sflag:$0x1] =	stream.indirect_vreg.gather [hbm4b:s6+s3], $0x80, v8, vm0, $0xb8;
	[tilespmem:$0x18400] =	vst v63  }
0x19e: {  	_ = 	snop  }
0x19f: {  	[tilespmem:s26], [sflag:$0x1] =	stream.indirect_vreg.gather [hbm4b:s1+s3], $0x80, v7, vm0, $0xb8;
	[tilespmem:$0x18400] =	vst v63  }
0x1a0: {  	_ = 	snop  }
0x1a1: {  	[tilespmem:s28], [sflag:$0x1] =	stream.indirect_vreg.gather [hbm4b:s5+s3], $0x80, v7, vm0, $0xb8;
	[tilespmem:$0x18400] =	vst v63  }
0x1a2: {  	s28 =	simm.s32 $0x8C00  }
0x1a3: {  	[tilespmem:s28], [sflag:$0x1] =	stream.indirect_vreg.gather [hbm4b:s6+s3], $0x80, v7, vm0, $0xb8;
	[tilespmem:$0x18400] =	vst v63  }
0x1a4: {  	v7 =	vld [tilespmem:$0x230];
	_ =	sdelay $0x4  }
0x1a5: {  	v8 =	vshrl.u32 v7, $0x3  }
0x1a6: {  	v8 =	vmul.u32 $0x30, v8  }
0x1a7: {  	v7 =	vand.u32 $0x7, v7  }
0x1a8: {  	v7 =	vor.u32 v7, v8  }
0x1a9: {  	v8 =	vperm.xlane v7, v4;
	_ =	sdelay $0x1  }
0x1aa: {  	v8 =	vadd.s32 v5, v8;
	_ =	sdelay $0x3  }
0x1ab: {  	s14 =	simm.s32 $0x9400;
	v7 =	vperm.xlane v7, v6  }
0x1ac: {  	[tilespmem:s14], [sflag:$0x1] =	stream.indirect_vreg.gather [hbm4b:s1+s3], $0x80, v8, vm0, $0xb8;
	[tilespmem:$0x18400] =	vst v63  }
0x1ad: {  	v7 =	vadd.s32 v5, v7  }
0x1ae: {  	[tilespmem:s29], [sflag:$0x1] =	stream.indirect_vreg.gather [hbm4b:s5+s3], $0x80, v8, vm0, $0xb8;
	[tilespmem:$0x18400] =	vst v63  }
0x1af: {  	_ = 	snop  }
0x1b0: {  	[tilespmem:s30], [sflag:$0x1] =	stream.indirect_vreg.gather [hbm4b:s6+s3], $0x80, v8, vm0, $0xb8;
	[tilespmem:$0x18400] =	vst v63  }
0x1b1: {  	_ = 	snop  }
0x1b2: {  	[tilespmem:s31], [sflag:$0x1] =	stream.indirect_vreg.gather [hbm4b:s1+s3], $0x80, v7, vm0, $0xb8;
	[tilespmem:$0x18400] =	vst v63  }
0x1b3: {  	_ = 	snop  }
0x1b4: {  	[tilespmem:s11], [sflag:$0x1] =	stream.indirect_vreg.gather [hbm4b:s5+s3], $0x80, v7, vm0, $0xb8;
	[tilespmem:$0x18400] =	vst v63  }
0x1b5: {  	s15 =	simm.s32 $0xBC00  }
0x1b6: {  	[tilespmem:s15], [sflag:$0x1] =	stream.indirect_vreg.gather [hbm4b:s6+s3], $0x80, v7, vm0, $0xb8;
	[tilespmem:$0x18400] =	vst v63  }
0x1b7: {  	_ =	swait.ge [sflag:s0], $0xC000  }
0x1b8: {  	[sflag:s0] =	ssyncset.done $0x0  }
0x1b9: {  	s31 =	rddreg [dreg:$0x7];
	[sflag:s0] =	ssyncadd.s32 $0xFFFF4000  }
0x1ba: {  	[hbm4b:s31+s3] =	stream.linear.scatter [tilespmem:s4], [sflag:$0x2], $0xC000, $0x38;
	[tilespmem:$0x18400] =	vst v63  }
0x1bb: {  	v7 =	vld [tilespmem:$0x280];
	_ =	sdelay $0x4  }
0x1bc: {  	v8 =	vld [tilespmem:$0x290];
	v7 =	vshll.u32 v7, $0x6  }
0x1bd: {  	v52 =	vld [tilespmem:$0x2A0];
	v7 =	vor.u32 v0, v7  }
0x1be: {  	v53 =	vld [tilespmem:$0x2B0];
	v54 =	vshrl.u32 v7, $0x3  }
0x1bf: {  	v11 =	vmul.u32 $0x30, v54;
	_ =	sdelay $0x1  }
0x1c0: {  	v8 =	vshll.u32 v8, $0x6;
	v11 =	vor.u32 v4, v11  }
0x1c1: {  	[tilespmem:$0x280] =	vst v7;
	v7 =	vor.u32 v1, v8;
	v8 =	vshll.u32 v52, $0x6;
	v55 =	vperm.xlane v11, v4  }
0x1c2: {  	[tilespmem:$0x290] =	vst v7;
	v7 =	vor.u32 v2, v8;
	v8 =	vshll.u32 v53, $0x6  }
0x1c3: {  	[tilespmem:$0x2A0] =	vst v7;
	v7 =	vor.u32 v3, v8;
	v8 =	vadd.s32 v5, v55  }
0x1c4: {  	[tilespmem:$0x2B0] =	vst v7  }
0x1c5: {  	_ =	swait.ge [sflag:s8], $0xC000  }
0x1c6: {  	[sflag:s8] =	ssyncset.done $0x0  }
0x1c7: {  	v7 =	vperm.xlane v11, v6;
	[sflag:s8] =	ssyncadd.s32 $0xFFFF4000  }
0x1c8: {  	[tilespmem:s4], [sflag:$0x1] =	stream.indirect_vreg.gather [hbm4b:s1+s3], $0x80, v8, vm0, $0xb8;
	[tilespmem:$0x18400] =	vst v63  }
0x1c9: {  	s12 =	simm.s32 $0xCC00;
	v7 =	vadd.s32 v5, v7  }
0x1ca: {  	[tilespmem:s12], [sflag:$0x1] =	stream.indirect_vreg.gather [hbm4b:s5+s3], $0x80, v8, vm0, $0xb8;
	[tilespmem:$0x18400] =	vst v63  }
0x1cb: {  	s12 =	simm.s32 $0xD400  }
0x1cc: {  	[tilespmem:s12], [sflag:$0x1] =	stream.indirect_vreg.gather [hbm4b:s6+s3], $0x80, v8, vm0, $0xb8;
	[tilespmem:$0x18400] =	vst v63  }
0x1cd: {  	s14 =	simm.s32 $0xDC00  }
0x1ce: {  	[tilespmem:s14], [sflag:$0x1] =	stream.indirect_vreg.gather [hbm4b:s1+s3], $0x80, v7, vm0, $0xb8;
	[tilespmem:$0x18400] =	vst v63  }
0x1cf: {  	s15 =	simm.s32 $0xE400  }
0x1d0: {  	[tilespmem:s15], [sflag:$0x1] =	stream.indirect_vreg.gather [hbm4b:s5+s3], $0x80, v7, vm0, $0xb8;
	[tilespmem:$0x18400] =	vst v63  }
0x1d1: {  	s10 =	simm.s32 $0xEC00  }
0x1d2: {  	[tilespmem:s10], [sflag:$0x1] =	stream.indirect_vreg.gather [hbm4b:s6+s3], $0x80, v7, vm0, $0xb8;
	[tilespmem:$0x18400] =	vst v63  }
0x1d3: {  	v7 =	vld [tilespmem:$0x290];
	_ =	sdelay $0x4  }
0x1d4: {  	v8 =	vshrl.u32 v7, $0x3  }
0x1d5: {  	v8 =	vmul.u32 $0x30, v8  }
0x1d6: {  	v7 =	vand.u32 $0x7, v7  }
0x1d7: {  	v7 =	vor.u32 v7, v8  }
0x1d8: {  	v8 =	vperm.xlane v7, v4;
	_ =	sdelay $0x1  }
0x1d9: {  	v8 =	vadd.s32 v5, v8;
	_ =	sdelay $0x3  }
0x1da: {  	s10 =	simm.s32 $0xF400;
	v7 =	vperm.xlane v7, v6  }
0x1db: {  	[tilespmem:s10], [sflag:$0x1] =	stream.indirect_vreg.gather [hbm4b:s1+s3], $0x80, v8, vm0, $0xb8;
	[tilespmem:$0x18400] =	vst v63  }
0x1dc: {  	s17 =	simm.s32 $0xFC00;
	v7 =	vadd.s32 v5, v7  }
0x1dd: {  	[tilespmem:s17], [sflag:$0x1] =	stream.indirect_vreg.gather [hbm4b:s5+s3], $0x80, v8, vm0, $0xb8;
	[tilespmem:$0x18400] =	vst v63  }
0x1de: {  	s10 =	simm.s32 $0x10400  }
0x1df: {  	[tilespmem:s10], [sflag:$0x1] =	stream.indirect_vreg.gather [hbm4b:s6+s3], $0x80, v8, vm0, $0xb8;
	[tilespmem:$0x18400] =	vst v63  }
0x1e0: {  	s10 =	simm.s32 $0x10C00  }
0x1e1: {  	[tilespmem:s10], [sflag:$0x1] =	stream.indirect_vreg.gather [hbm4b:s1+s3], $0x80, v7, vm0, $0xb8;
	[tilespmem:$0x18400] =	vst v63  }
0x1e2: {  	s10 =	simm.s32 $0x11400  }
0x1e3: {  	[tilespmem:s10], [sflag:$0x1] =	stream.indirect_vreg.gather [hbm4b:s5+s3], $0x80, v7, vm0, $0xb8;
	[tilespmem:$0x18400] =	vst v63  }
0x1e4: {  	s10 =	simm.s32 $0x11C00  }
0x1e5: {  	[tilespmem:s10], [sflag:$0x1] =	stream.indirect_vreg.gather [hbm4b:s6+s3], $0x80, v7, vm0, $0xb8;
	[tilespmem:$0x18400] =	vst v63  }
0x1e6: {  	v7 =	vld [tilespmem:$0x2A0];
	_ =	sdelay $0x4  }
0x1e7: {  	v8 =	vshrl.u32 v7, $0x3  }
0x1e8: {  	v8 =	vmul.u32 $0x30, v8  }
0x1e9: {  	v7 =	vand.u32 $0x7, v7  }
0x1ea: {  	v7 =	vor.u32 v7, v8  }
0x1eb: {  	v8 =	vperm.xlane v7, v4;
	_ =	sdelay $0x1  }
0x1ec: {  	v8 =	vadd.s32 v5, v8;
	_ =	sdelay $0x3  }
0x1ed: {  	s10 =	simm.s32 $0x12400;
	v7 =	vperm.xlane v7, v6  }
0x1ee: {  	[tilespmem:s10], [sflag:$0x1] =	stream.indirect_vreg.gather [hbm4b:s1+s3], $0x80, v8, vm0, $0xb8;
	[tilespmem:$0x18400] =	vst v63  }
0x1ef: {  	v7 =	vadd.s32 v5, v7;
	s10 =	simm.s32 $0x12C00  }
0x1f0: {  	[tilespmem:s10], [sflag:$0x1] =	stream.indirect_vreg.gather [hbm4b:s5+s3], $0x80, v8, vm0, $0xb8;
	[tilespmem:$0x18400] =	vst v63  }
0x1f1: {  	s10 =	simm.s32 $0x13400  }
0x1f2: {  	[tilespmem:s10], [sflag:$0x1] =	stream.indirect_vreg.gather [hbm4b:s6+s3], $0x80, v8, vm0, $0xb8;
	[tilespmem:$0x18400] =	vst v63  }
0x1f3: {  	s10 =	simm.s32 $0x13C00  }
0x1f4: {  	[tilespmem:s10], [sflag:$0x1] =	stream.indirect_vreg.gather [hbm4b:s1+s3], $0x80, v7, vm0, $0xb8;
	[tilespmem:$0x18400] =	vst v63  }
0x1f5: {  	s10 =	simm.s32 $0x14400  }
0x1f6: {  	[tilespmem:s10], [sflag:$0x1] =	stream.indirect_vreg.gather [hbm4b:s5+s3], $0x80, v7, vm0, $0xb8;
	[tilespmem:$0x18400] =	vst v63  }
0x1f7: {  	s10 =	simm.s32 $0x14C00  }
0x1f8: {  	[tilespmem:s10], [sflag:$0x1] =	stream.indirect_vreg.gather [hbm4b:s6+s3], $0x80, v7, vm0, $0xb8;
	[tilespmem:$0x18400] =	vst v63  }
0x1f9: {  	v7 =	vld [tilespmem:$0x2B0];
	_ =	sdelay $0x4  }
0x1fa: {  	v8 =	vshrl.u32 v7, $0x3  }
0x1fb: {  	v8 =	vmul.u32 $0x30, v8  }
0x1fc: {  	v7 =	vand.u32 $0x7, v7  }
0x1fd: {  	v7 =	vor.u32 v7, v8  }
0x1fe: {  	v8 =	vperm.xlane v7, v4;
	_ =	sdelay $0x1  }
0x1ff: {  	v8 =	vadd.s32 v5, v8;
	_ =	sdelay $0x3  }
0x200: {  	s10 =	simm.s32 $0x15400;
	v7 =	vperm.xlane v7, v6  }
0x201: {  	[tilespmem:s10], [sflag:$0x1] =	stream.indirect_vreg.gather [hbm4b:s1+s3], $0x80, v8, vm0, $0xb8;
	[tilespmem:$0x18400] =	vst v63  }
0x202: {  	v7 =	vadd.s32 v5, v7;
	s10 =	simm.s32 $0x15C00  }
0x203: {  	[tilespmem:s10], [sflag:$0x1] =	stream.indirect_vreg.gather [hbm4b:s5+s3], $0x80, v8, vm0, $0xb8;
	[tilespmem:$0x18400] =	vst v63  }
0x204: {  	s10 =	simm.s32 $0x16400  }
0x205: {  	[tilespmem:s10], [sflag:$0x1] =	stream.indirect_vreg.gather [hbm4b:s6+s3], $0x80, v8, vm0, $0xb8;
	[tilespmem:$0x18400] =	vst v63  }
0x206: {  	s10 =	simm.s32 $0x16C00  }
0x207: {  	[tilespmem:s10], [sflag:$0x1] =	stream.indirect_vreg.gather [hbm4b:s1+s3], $0x80, v7, vm0, $0xb8;
	[tilespmem:$0x18400] =	vst v63  }
0x208: {  	s10 =	simm.s32 $0x17400  }
0x209: {  	[tilespmem:s10], [sflag:$0x1] =	stream.indirect_vreg.gather [hbm4b:s5+s3], $0x80, v7, vm0, $0xb8;
	[tilespmem:$0x18400] =	vst v63  }
0x20a: {  	s10 =	simm.s32 $0x17C00  }
0x20b: {  	[tilespmem:s10], [sflag:$0x1] =	stream.indirect_vreg.gather [hbm4b:s6+s3], $0x80, v7, vm0, $0xb8;
	[tilespmem:$0x18400] =	vst v63  }
0x20c: {  	_ =	swait.ge [sflag:s0], $0xC000  }
0x20d: {  	[sflag:s0] =	ssyncset.done $0x0  }
0x20e: {  	s10 =	rddreg [dreg:$0x8];
	[sflag:s0] =	ssyncadd.s32 $0xFFFF4000  }
0x20f: {  	[hbm4b:s10+s3] =	stream.linear.scatter [tilespmem:s13], [sflag:$0x2], $0xC000, $0x38;
	[tilespmem:$0x18400] =	vst v63  }
0x210: {  	v7 =	vld [tilespmem:$0x300];
	_ =	sdelay $0x4  }
0x211: {  	v8 =	vld [tilespmem:$0x310];
	v7 =	vshll.u32 v7, $0x6  }
0x212: {  	v56 =	vld [tilespmem:$0x320];
	v7 =	vor.u32 v0, v7  }
0x213: {  	v57 =	vld [tilespmem:$0x330];
	v58 =	vshrl.u32 v7, $0x3  }
0x214: {  	v11 =	vmul.u32 $0x30, v58;
	_ =	sdelay $0x1  }
0x215: {  	v8 =	vshll.u32 v8, $0x6;
	v11 =	vor.u32 v4, v11  }
0x216: {  	[tilespmem:$0x300] =	vst v7;
	v7 =	vor.u32 v1, v8;
	v8 =	vshll.u32 v56, $0x6;
	v59 =	vperm.xlane v11, v4  }
0x217: {  	[tilespmem:$0x310] =	vst v7;
	v7 =	vor.u32 v2, v8;
	v8 =	vshll.u32 v57, $0x6  }
0x218: {  	[tilespmem:$0x320] =	vst v7;
	v7 =	vor.u32 v3, v8;
	v8 =	vadd.s32 v5, v59  }
0x219: {  	[tilespmem:$0x330] =	vst v7  }
0x21a: {  	_ =	swait.ge [sflag:s8], $0xC000  }
0x21b: {  	[sflag:s8] =	ssyncset.done $0x0  }
0x21c: {  	v7 =	vperm.xlane v11, v6;
	[sflag:s8] =	ssyncadd.s32 $0xFFFF4000  }
0x21d: {  	[tilespmem:s13], [sflag:$0x1] =	stream.indirect_vreg.gather [hbm4b:s1+s3], $0x80, v8, vm0, $0xb8;
	[tilespmem:$0x18400] =	vst v63  }
0x21e: {  	s2 =	simm.s32 $0xC00;
	v7 =	vadd.s32 v5, v7  }
0x21f: {  	[tilespmem:s2], [sflag:$0x1] =	stream.indirect_vreg.gather [hbm4b:s5+s3], $0x80, v8, vm0, $0xb8;
	[tilespmem:$0x18400] =	vst v63  }
0x220: {  	s9 =	simm.s32 $0x1400  }
0x221: {  	[tilespmem:s9], [sflag:$0x1] =	stream.indirect_vreg.gather [hbm4b:s6+s3], $0x80, v8, vm0, $0xb8;
	[tilespmem:$0x18400] =	vst v63  }
0x222: {  	s16 =	simm.s32 $0x1C00  }
0x223: {  	[tilespmem:s16], [sflag:$0x1] =	stream.indirect_vreg.gather [hbm4b:s1+s3], $0x80, v7, vm0, $0xb8;
	[tilespmem:$0x18400] =	vst v63  }
0x224: {  	s18 =	simm.s32 $0x2400  }
0x225: {  	[tilespmem:s18], [sflag:$0x1] =	stream.indirect_vreg.gather [hbm4b:s5+s3], $0x80, v7, vm0, $0xb8;
	[tilespmem:$0x18400] =	vst v63  }
0x226: {  	s16 =	simm.s32 $0x2C00  }
0x227: {  	[tilespmem:s16], [sflag:$0x1] =	stream.indirect_vreg.gather [hbm4b:s6+s3], $0x80, v7, vm0, $0xb8;
	[tilespmem:$0x18400] =	vst v63  }
0x228: {  	v7 =	vld [tilespmem:$0x310];
	_ =	sdelay $0x4  }
0x229: {  	v8 =	vshrl.u32 v7, $0x3  }
0x22a: {  	v8 =	vmul.u32 $0x30, v8  }
0x22b: {  	v7 =	vand.u32 $0x7, v7  }
0x22c: {  	v7 =	vor.u32 v7, v8  }
0x22d: {  	v8 =	vperm.xlane v7, v4;
	_ =	sdelay $0x1  }
0x22e: {  	v8 =	vadd.s32 v5, v8;
	_ =	sdelay $0x3  }
0x22f: {  	s18 =	simm.s32 $0x3400;
	v7 =	vperm.xlane v7, v6  }
0x230: {  	[tilespmem:s18], [sflag:$0x1] =	stream.indirect_vreg.gather [hbm4b:s1+s3], $0x80, v8, vm0, $0xb8;
	[tilespmem:$0x18400] =	vst v63  }
0x231: {  	s19 =	simm.s32 $0x3C00;
	v7 =	vadd.s32 v5, v7  }
0x232: {  	[tilespmem:s19], [sflag:$0x1] =	stream.indirect_vreg.gather [hbm4b:s5+s3], $0x80, v8, vm0, $0xb8;
	[tilespmem:$0x18400] =	vst v63  }
0x233: {  	s20 =	simm.s32 $0x4400  }
0x234: {  	[tilespmem:s20], [sflag:$0x1] =	stream.indirect_vreg.gather [hbm4b:s6+s3], $0x80, v8, vm0, $0xb8;
	[tilespmem:$0x18400] =	vst v63  }
0x235: {  	s21 =	simm.s32 $0x4C00  }
0x236: {  	[tilespmem:s21], [sflag:$0x1] =	stream.indirect_vreg.gather [hbm4b:s1+s3], $0x80, v7, vm0, $0xb8;
	[tilespmem:$0x18400] =	vst v63  }
0x237: {  	s22 =	simm.s32 $0x5400  }
0x238: {  	[tilespmem:s22], [sflag:$0x1] =	stream.indirect_vreg.gather [hbm4b:s5+s3], $0x80, v7, vm0, $0xb8;
	[tilespmem:$0x18400] =	vst v63  }
0x239: {  	s21 =	simm.s32 $0x5C00  }
0x23a: {  	[tilespmem:s21], [sflag:$0x1] =	stream.indirect_vreg.gather [hbm4b:s6+s3], $0x80, v7, vm0, $0xb8;
	[tilespmem:$0x18400] =	vst v63  }
0x23b: {  	v7 =	vld [tilespmem:$0x320];
	_ =	sdelay $0x4  }
0x23c: {  	v8 =	vshrl.u32 v7, $0x3  }
0x23d: {  	v8 =	vmul.u32 $0x30, v8  }
0x23e: {  	v7 =	vand.u32 $0x7, v7  }
0x23f: {  	v7 =	vor.u32 v7, v8  }
0x240: {  	v8 =	vperm.xlane v7, v4;
	_ =	sdelay $0x1  }
0x241: {  	v8 =	vadd.s32 v5, v8;
	_ =	sdelay $0x3  }
0x242: {  	s22 =	simm.s32 $0x6400;
	v7 =	vperm.xlane v7, v6  }
0x243: {  	[tilespmem:s22], [sflag:$0x1] =	stream.indirect_vreg.gather [hbm4b:s1+s3], $0x80, v8, vm0, $0xb8;
	[tilespmem:$0x18400] =	vst v63  }
0x244: {  	s23 =	simm.s32 $0x6C00;
	v7 =	vadd.s32 v5, v7  }
0x245: {  	[tilespmem:s23], [sflag:$0x1] =	stream.indirect_vreg.gather [hbm4b:s5+s3], $0x80, v8, vm0, $0xb8;
	[tilespmem:$0x18400] =	vst v63  }
0x246: {  	s24 =	simm.s32 $0x7400  }
0x247: {  	[tilespmem:s24], [sflag:$0x1] =	stream.indirect_vreg.gather [hbm4b:s6+s3], $0x80, v8, vm0, $0xb8;
	[tilespmem:$0x18400] =	vst v63  }
0x248: {  	s25 =	simm.s32 $0x7C00  }
0x249: {  	[tilespmem:s25], [sflag:$0x1] =	stream.indirect_vreg.gather [hbm4b:s1+s3], $0x80, v7, vm0, $0xb8;
	[tilespmem:$0x18400] =	vst v63  }
0x24a: {  	s26 =	simm.s32 $0x8400  }
0x24b: {  	[tilespmem:s26], [sflag:$0x1] =	stream.indirect_vreg.gather [hbm4b:s5+s3], $0x80, v7, vm0, $0xb8;
	[tilespmem:$0x18400] =	vst v63  }
0x24c: {  	s25 =	simm.s32 $0x8C00  }
0x24d: {  	[tilespmem:s25], [sflag:$0x1] =	stream.indirect_vreg.gather [hbm4b:s6+s3], $0x80, v7, vm0, $0xb8;
	[tilespmem:$0x18400] =	vst v63  }
0x24e: {  	v7 =	vld [tilespmem:$0x330];
	_ =	sdelay $0x4  }
0x24f: {  	v8 =	vshrl.u32 v7, $0x3  }
0x250: {  	v8 =	vmul.u32 $0x30, v8  }
0x251: {  	v7 =	vand.u32 $0x7, v7  }
0x252: {  	v7 =	vor.u32 v7, v8  }
0x253: {  	v8 =	vperm.xlane v7, v4;
	_ =	sdelay $0x1  }
0x254: {  	v8 =	vadd.s32 v5, v8;
	_ =	sdelay $0x3  }
0x255: {  	s26 =	simm.s32 $0x9400;
	v7 =	vperm.xlane v7, v6  }
0x256: {  	[tilespmem:s26], [sflag:$0x1] =	stream.indirect_vreg.gather [hbm4b:s1+s3], $0x80, v8, vm0, $0xb8;
	[tilespmem:$0x18400] =	vst v63  }
0x257: {  	s28 =	simm.s32 $0x9C00;
	v7 =	vadd.s32 v5, v7  }
0x258: {  	[tilespmem:s28], [sflag:$0x1] =	stream.indirect_vreg.gather [hbm4b:s5+s3], $0x80, v8, vm0, $0xb8;
	[tilespmem:$0x18400] =	vst v63  }
0x259: {  	s29 =	simm.s32 $0xA400  }
0x25a: {  	[tilespmem:s29], [sflag:$0x1] =	stream.indirect_vreg.gather [hbm4b:s6+s3], $0x80, v8, vm0, $0xb8;
	[tilespmem:$0x18400] =	vst v63  }
0x25b: {  	s30 =	simm.s32 $0xAC00  }
0x25c: {  	[tilespmem:s30], [sflag:$0x1] =	stream.indirect_vreg.gather [hbm4b:s1+s3], $0x80, v7, vm0, $0xb8;
	[tilespmem:$0x18400] =	vst v63  }
0x25d: {  	s11 =	simm.s32 $0xB400  }
0x25e: {  	[tilespmem:s11], [sflag:$0x1] =	stream.indirect_vreg.gather [hbm4b:s5+s3], $0x80, v7, vm0, $0xb8;
	[tilespmem:$0x18400] =	vst v63  }
0x25f: {  	s30 =	simm.s32 $0xBC00  }
0x260: {  	[tilespmem:s30], [sflag:$0x1] =	stream.indirect_vreg.gather [hbm4b:s6+s3], $0x80, v7, vm0, $0xb8;
	[tilespmem:$0x18400] =	vst v63  }
0x261: {  	_ =	swait.ge [sflag:s0], $0xC000  }
0x262: {  	[sflag:s0] =	ssyncset.done $0x0  }
0x263: {  	s9 =	rddreg [dreg:$0x9];
	[sflag:s0] =	ssyncadd.s32 $0xFFFF4000  }
0x264: {  	[hbm4b:s9+s3] =	stream.linear.scatter [tilespmem:s4], [sflag:$0x2], $0xC000, $0x38;
	[tilespmem:$0x18400] =	vst v63  }
0x265: {  	v7 =	vld [tilespmem:$0x380];
	_ =	sdelay $0x4  }
0x266: {  	v8 =	vld [tilespmem:$0x390];
	v7 =	vshll.u32 v7, $0x6  }
0x267: {  	v60 =	vld [tilespmem:$0x3A0];
	v7 =	vor.u32 v0, v7  }
0x268: {  	v61 =	vld [tilespmem:$0x3B0];
	v62 =	vshrl.u32 v7, $0x3  }
0x269: {  	v11 =	vmul.u32 $0x30, v62;
	_ =	sdelay $0x1  }
0x26a: {  	v8 =	vshll.u32 v8, $0x6;
	v11 =	vor.u32 v4, v11  }
0x26b: {  	[tilespmem:$0x380] =	vst v7;
	v7 =	vor.u32 v1, v8;
	v8 =	vshll.u32 v60, $0x6;
	v63 =	vperm.xlane v11, v4  }
0x26c: {  	[tilespmem:$0x390] =	vst v7;
	v7 =	vor.u32 v2, v8;
	v8 =	vshll.u32 v61, $0x6  }
0x26d: {  	[tilespmem:$0x3A0] =	vst v7;
	v7 =	vor.u32 v3, v8;
	v8 =	vadd.s32 v5, v63  }
0x26e: {  	[tilespmem:$0x3B0] =	vst v7  }
0x26f: {  	_ =	swait.ge [sflag:s8], $0xC000  }
0x270: {  	[sflag:s8] =	ssyncset.done $0x0  }
0x271: {  	v7 =	vperm.xlane v11, v6;
	[sflag:s8] =	ssyncadd.s32 $0xFFFF4000  }
0x272: {  	[tilespmem:s4], [sflag:$0x1] =	stream.indirect_vreg.gather [hbm4b:s1+s3], $0x80, v8, vm0, $0xb8;
	[tilespmem:$0x18400] =	vst v63  }
0x273: {  	s31 =	simm.s32 $0xCC00;
	v7 =	vadd.s32 v5, v7  }
0x274: {  	[tilespmem:s31], [sflag:$0x1] =	stream.indirect_vreg.gather [hbm4b:s5+s3], $0x80, v8, vm0, $0xb8;
	[tilespmem:$0x18400] =	vst v63  }
0x275: {  	s12 =	simm.s32 $0xD400  }
0x276: {  	[tilespmem:s12], [sflag:$0x1] =	stream.indirect_vreg.gather [hbm4b:s6+s3], $0x80, v8, vm0, $0xb8;
	[tilespmem:$0x18400] =	vst v63  }
0x277: {  	s14 =	simm.s32 $0xDC00  }
0x278: {  	[tilespmem:s14], [sflag:$0x1] =	stream.indirect_vreg.gather [hbm4b:s1+s3], $0x80, v7, vm0, $0xb8;
	[tilespmem:$0x18400] =	vst v63  }
0x279: {  	s15 =	simm.s32 $0xE400  }
0x27a: {  	[tilespmem:s15], [sflag:$0x1] =	stream.indirect_vreg.gather [hbm4b:s5+s3], $0x80, v7, vm0, $0xb8;
	[tilespmem:$0x18400] =	vst v63  }
0x27b: {  	s10 =	simm.s32 $0xEC00  }
0x27c: {  	[tilespmem:s10], [sflag:$0x1] =	stream.indirect_vreg.gather [hbm4b:s6+s3], $0x80, v7, vm0, $0xb8;
	[tilespmem:$0x18400] =	vst v63  }
0x27d: {  	v7 =	vld [tilespmem:$0x390];
	_ =	sdelay $0x4  }
0x27e: {  	v8 =	vshrl.u32 v7, $0x3  }
0x27f: {  	v8 =	vmul.u32 $0x30, v8  }
0x280: {  	v7 =	vand.u32 $0x7, v7  }
0x281: {  	v7 =	vor.u32 v7, v8  }
0x282: {  	v8 =	vperm.xlane v7, v4;
	_ =	sdelay $0x1  }
0x283: {  	v8 =	vadd.s32 v5, v8;
	_ =	sdelay $0x3  }
0x284: {  	s11 =	simm.s32 $0xF400;
	v7 =	vperm.xlane v7, v6  }
0x285: {  	[tilespmem:s11], [sflag:$0x1] =	stream.indirect_vreg.gather [hbm4b:s1+s3], $0x80, v8, vm0, $0xb8;
	[tilespmem:$0x18400] =	vst v63  }
0x286: {  	s17 =	simm.s32 $0xFC00;
	v7 =	vadd.s32 v5, v7  }
0x287: {  	[tilespmem:s17], [sflag:$0x1] =	stream.indirect_vreg.gather [hbm4b:s5+s3], $0x80, v8, vm0, $0xb8;
	[tilespmem:$0x18400] =	vst v63  }
0x288: {  	s12 =	simm.s32 $0x10400  }
0x289: {  	[tilespmem:s12], [sflag:$0x1] =	stream.indirect_vreg.gather [hbm4b:s6+s3], $0x80, v8, vm0, $0xb8;
	[tilespmem:$0x18400] =	vst v63  }
0x28a: {  	s14 =	simm.s32 $0x10C00  }
0x28b: {  	[tilespmem:s14], [sflag:$0x1] =	stream.indirect_vreg.gather [hbm4b:s1+s3], $0x80, v7, vm0, $0xb8;
	[tilespmem:$0x18400] =	vst v63  }
0x28c: {  	s15 =	simm.s32 $0x11400  }
0x28d: {  	[tilespmem:s15], [sflag:$0x1] =	stream.indirect_vreg.gather [hbm4b:s5+s3], $0x80, v7, vm0, $0xb8;
	[tilespmem:$0x18400] =	vst v63  }
0x28e: {  	s16 =	simm.s32 $0x11C00  }
0x28f: {  	[tilespmem:s16], [sflag:$0x1] =	stream.indirect_vreg.gather [hbm4b:s6+s3], $0x80, v7, vm0, $0xb8;
	[tilespmem:$0x18400] =	vst v63  }
0x290: {  	v7 =	vld [tilespmem:$0x3A0];
	_ =	sdelay $0x4  }
0x291: {  	v8 =	vshrl.u32 v7, $0x3  }
0x292: {  	v8 =	vmul.u32 $0x30, v8  }
0x293: {  	v7 =	vand.u32 $0x7, v7  }
0x294: {  	v7 =	vor.u32 v7, v8  }
0x295: {  	v8 =	vperm.xlane v7, v4;
	_ =	sdelay $0x1  }
0x296: {  	v8 =	vadd.s32 v5, v8;
	_ =	sdelay $0x3  }
0x297: {  	s17 =	simm.s32 $0x12400;
	v7 =	vperm.xlane v7, v6  }
0x298: {  	[tilespmem:s17], [sflag:$0x1] =	stream.indirect_vreg.gather [hbm4b:s1+s3], $0x80, v8, vm0, $0xb8;
	[tilespmem:$0x18400] =	vst v63  }
0x299: {  	s18 =	simm.s32 $0x12C00;
	v7 =	vadd.s32 v5, v7  }
0x29a: {  	[tilespmem:s18], [sflag:$0x1] =	stream.indirect_vreg.gather [hbm4b:s5+s3], $0x80, v8, vm0, $0xb8;
	[tilespmem:$0x18400] =	vst v63  }
0x29b: {  	s19 =	simm.s32 $0x13400  }
0x29c: {  	[tilespmem:s19], [sflag:$0x1] =	stream.indirect_vreg.gather [hbm4b:s6+s3], $0x80, v8, vm0, $0xb8;
	[tilespmem:$0x18400] =	vst v63  }
0x29d: {  	s20 =	simm.s32 $0x13C00  }
0x29e: {  	[tilespmem:s20], [sflag:$0x1] =	stream.indirect_vreg.gather [hbm4b:s1+s3], $0x80, v7, vm0, $0xb8;
	[tilespmem:$0x18400] =	vst v63  }
0x29f: {  	s21 =	simm.s32 $0x14400  }
0x2a0: {  	[tilespmem:s21], [sflag:$0x1] =	stream.indirect_vreg.gather [hbm4b:s5+s3], $0x80, v7, vm0, $0xb8;
	[tilespmem:$0x18400] =	vst v63  }
0x2a1: {  	s22 =	simm.s32 $0x14C00  }
0x2a2: {  	[tilespmem:s22], [sflag:$0x1] =	stream.indirect_vreg.gather [hbm4b:s6+s3], $0x80, v7, vm0, $0xb8;
	[tilespmem:$0x18400] =	vst v63  }
0x2a3: {  	v7 =	vld [tilespmem:$0x3B0];
	_ =	sdelay $0x4  }
0x2a4: {  	v8 =	vshrl.u32 v7, $0x3  }
0x2a5: {  	v8 =	vmul.u32 $0x30, v8  }
0x2a6: {  	v7 =	vand.u32 $0x7, v7  }
0x2a7: {  	v7 =	vor.u32 v7, v8  }
0x2a8: {  	v8 =	vperm.xlane v7, v4;
	_ =	sdelay $0x1  }
0x2a9: {  	v8 =	vadd.s32 v5, v8;
	_ =	sdelay $0x3  }
0x2aa: {  	s23 =	simm.s32 $0x15400;
	v7 =	vperm.xlane v7, v6  }
0x2ab: {  	[tilespmem:s23], [sflag:$0x1] =	stream.indirect_vreg.gather [hbm4b:s1+s3], $0x80, v8, vm0, $0xb8;
	[tilespmem:$0x18400] =	vst v63  }
0x2ac: {  	s24 =	simm.s32 $0x15C00;
	v7 =	vadd.s32 v5, v7  }
0x2ad: {  	[tilespmem:s24], [sflag:$0x1] =	stream.indirect_vreg.gather [hbm4b:s5+s3], $0x80, v8, vm0, $0xb8;
	[tilespmem:$0x18400] =	vst v63  }
0x2ae: {  	s25 =	simm.s32 $0x16400  }
0x2af: {  	[tilespmem:s25], [sflag:$0x1] =	stream.indirect_vreg.gather [hbm4b:s6+s3], $0x80, v8, vm0, $0xb8;
	[tilespmem:$0x18400] =	vst v63  }
0x2b0: {  	s26 =	simm.s32 $0x16C00  }
0x2b1: {  	[tilespmem:s26], [sflag:$0x1] =	stream.indirect_vreg.gather [hbm4b:s1+s3], $0x80, v7, vm0, $0xb8;
	[tilespmem:$0x18400] =	vst v63  }
0x2b2: {  	s28 =	simm.s32 $0x17400  }
0x2b3: {  	[tilespmem:s28], [sflag:$0x1] =	stream.indirect_vreg.gather [hbm4b:s5+s3], $0x80, v7, vm0, $0xb8;
	[tilespmem:$0x18400] =	vst v63  }
0x2b4: {  	s29 =	simm.s32 $0x17C00  }
0x2b5: {  	[tilespmem:s29], [sflag:$0x1] =	stream.indirect_vreg.gather [hbm4b:s6+s3], $0x80, v7, vm0, $0xb8;
	[tilespmem:$0x18400] =	vst v63  }
0x2b6: {  	_ =	swait.ge [sflag:s0], $0xC000  }
0x2b7: {  	[sflag:s0] =	ssyncset.done $0x0  }
0x2b8: {  	s30 =	rddreg [dreg:$0xa];
	[sflag:s0] =	ssyncadd.s32 $0xFFFF4000  }
0x2b9: {  	[hbm4b:s30+s3] =	stream.linear.scatter [tilespmem:s13], [sflag:$0x2], $0xC000, $0x38;
	[tilespmem:$0x18400] =	vst v63  }
0x2ba: {  	_ =	swait.ge [sflag:s0], $0xC000  }
0x2bb: {  	[sflag:s0] =	ssyncset.done $0x0  }
0x2bc: {  	s31 =	rddreg [dreg:$0xb];
	[sflag:s0] =	ssyncadd.s32 $0xFFFF4000  }
0x2bd: {  	[hbm4b:s31+s3] =	stream.linear.scatter [tilespmem:s4], [sflag:$0x2], $0xC000, $0x38;
	[tilespmem:$0x18400] =	vst v63  }
0x2be: {  	p0 =	sne.s32 s7, $0x1;
	_ =	swait.ge [sflag:s8], $0xC000  }
.Ltmp0:
0x2bf: {  	[sflag:s8] =	ssyncset.done $0x0;
	(pc) =	sbr.rel @p0 .LBB2_1-.Ltmp0, $4  }
0x2c0: {  	[sflag:s8] =	ssyncadd.s32 $0xFFFF4000  }
0x2c1: {  	_ =	swait.ge [sflag:s8], $0xC000  }
0x2c2: {  	[sflag:s8] =	ssyncset.done $0x0  }
0x2c3: {  	s7 =	sadd.s32 $0xFFFFFFFF, s7;
	[sflag:s8] =	ssyncadd.s32 $0xFFFF4000  }
0x2c4: {  	_ =	sfence.sel $0x180000  }
0x2c5: {  	[bflag:$0x0] =	sbarrier.arrive $0xFFFF  }
0x2c6: {  	_ =	strace $0x90000047  }
0x2c7: {  	s0 =	stileid.u32;
	[bflag:$0x2] =	sbarrier.arrive $0xFFFF  }
0x2c8: {  	p0 =	sne.s32 s0, $0x0;
	s0 =	rddreg [dreg:$0x3]  }
0x2c9: {  	s0 =	sadd.s32 @!p0 $0x100000, s0  }
0x2ca: {  	[sflag:s0] =	ssyncadd.tile.s32 @!p0 $0x1;
	_ =	shalt  }
.Lfunc_end2:
_tile_overlayer_lowered:
.L_overlay_start_2:
0x2cb: {  	(tag) =	ssettag $0x2  }
0x2cc: {  	s0 =	rddreg [dreg:$0x0];
	s2 =	stileid.u32  }
0x2cd: {  	s1 =	rddreg [dreg:$0x1];
	p0 =	sne.s32 s2, $0x0  }
0x2ce: {  	s3 =	rddreg [dreg:$0x2];
	[bflag:$0x3] =	sbarrier.arrive $0xFFFF;
	s2 =	simm.s32 @!p0 $0x1C03  }
0x2cf: {  	[timem:s3], [sflag:s2] =	dma.local @!p0 [hbm:s0], s1  }
0x2d0: {  	s0 =	simm.s32 @!p0 $0x3  }
0x2d1: {  	_ =	swait.ge @!p0 [sflag:s0], s1  }
0x2d2: {  	s1 =	ssub.s32 @!p0 $0x0, s1;
	[sflag:s0] =	ssyncset.done @!p0 $0x0  }
0x2d3: {  	[sflag:s0] =	ssyncadd.s32 @!p0 s1  }
0x2d4: {  	[bflag:$0x3] =	sbarrier.arrive $0xFFFF  }
0x2d5: {  	_ =	shalt  }

</sc_bundles>
